<compile_context>
chip_gen: v7x
topology: tpu7x:2x2x1
jax: 0.10.2.dev20260603
libtpu: 0.0.44.dev20260713+nightly
codegen_flags: <defaults>
</compile_context>

<pallas_src>
import functools

import jax
import jax.numpy as jnp
import numpy as np
from jax import lax
from jax.experimental import pallas as pl
from jax.experimental.pallas import tpu as pltpu
from jax.experimental.pallas import tpu_sc as plsc

N_HEAD = 16
K_KEEP = 512
RECENCY = 64


def _qkv_kernel(x_ref, w_ref, o_ref, *, hpb, dh):
    r = jax.lax.dot_general(
        x_ref[...], w_ref[...],
        (((1,), (0,)), ((), ())),
        preferred_element_type=jnp.float32)
    r = r.astype(jnp.bfloat16)
    for ih in range(hpb):
        o_ref[ih, 0, :, :] = r[:, ih * dh:(ih + 1) * dh]


def _importance_kernel(q_ref, k_ref, imp_ref, thr_ref, colsum_ref, *,
                       t, bq, scale, k_keep, recency):
    qi = pl.program_id(2)

    @pl.when(qi == 0)
    def _():
        colsum_ref[...] = jnp.zeros_like(colsum_ref)

    q = q_ref[0, 0, :, :]
    k = k_ref[0, 0, :, :]
    s = jax.lax.dot_general(
        q, k, (((1,), (1,)), ((), ())),
        preferred_element_type=jnp.float32) * scale
    row = qi * bq + jax.lax.broadcasted_iota(jnp.int32, (bq, t), 0)
    col = jax.lax.broadcasted_iota(jnp.int32, (bq, t), 1)
    s = jnp.where(col <= row, s, -jnp.inf)
    m = jnp.max(s, axis=1, keepdims=True)
    p = jnp.exp(s - m)
    l = jnp.sum(p, axis=1, keepdims=True)
    colsum_ref[...] += jnp.sum(p / l, axis=0, keepdims=True)

    @pl.when(qi == pl.num_programs(2) - 1)
    def _():
        v = colsum_ref[...] * (1.0 / t)
        cidx = jax.lax.broadcasted_iota(jnp.int32, (1, t), 1)
        v = jnp.where(cidx >= t - recency, 1.0, v)
        imp_ref[0, :, :] = v
        vb = jax.lax.bitcast_convert_type(v, jnp.int32)

        def body(i, tb):
            cand = tb | (1 << (30 - i))
            cnt = jnp.sum((vb >= cand).astype(jnp.int32))
            return jnp.where(cnt >= k_keep, cand, tb)

        tbits = jax.lax.fori_loop(0, 31, body, jnp.int32(0))
        thr_ref[0, :, :] = jnp.broadcast_to(
            jax.lax.bitcast_convert_type(tbits, jnp.float32), (1, 128))


def _sc_body(imp_hbm, thr_hbm, kv_hbm, kk_hbm, vv_hbm,
             imp_v, thr_v, idxk_v, idxv_v, kbuf, vbuf, sem,
             *, b, t, n_head, k_keep, n_cores):
    wid = lax.axis_index("s") * n_cores + lax.axis_index("c")
    bi = wid // n_head
    h = wid % n_head
    base_k = (n_head + h) * (b * t) + bi * t
    base_v = (2 * n_head + h) * (b * t) + bi * t

    pltpu.sync_copy(imp_hbm.at[wid], imp_v)
    pltpu.sync_copy(thr_hbm.at[wid], thr_v)
    thr = thr_v[pl.ds(0, 16)]

    nchunk = t // 16
    iota = lax.iota(jnp.int32, 16)

    @plsc.parallel_loop(0, nchunk, step=1, unroll=8, carry=jnp.int32(0))
    def _loop(i, cursor):
        x = imp_v[pl.ds(i * 16, 16)]
        msk = x >= thr
        mi = msk.astype(jnp.int32)
        pos = cursor + plsc.cumsum(mi) - 1
        wr = jnp.logical_and(msk, pos < k_keep)
        tvec = i * 16 + iota
        plsc.store_scatter(idxk_v, [pos], tvec + base_k, mask=wr)
        plsc.store_scatter(idxv_v, [pos], tvec + base_v, mask=wr)
        return cursor + jnp.sum(mi)

    pltpu.async_copy(kv_hbm.at[idxk_v], kbuf, sem).wait()
    pltpu.async_copy(kv_hbm.at[idxv_v], vbuf, sem).wait()
    pltpu.sync_copy(kbuf, kk_hbm.at[wid])
    pltpu.sync_copy(vbuf, vv_hbm.at[wid])


def _sc_select_gather(imp, thr, kv, b, t, n_head, k_keep, dw):
    bh = b * n_head
    info = plsc.get_sparse_core_info()
    mesh = plsc.VectorSubcoreMesh(core_axis_name="c", subcore_axis_name="s")
    fn = pl.kernel(
        functools.partial(_sc_body, b=b, t=t, n_head=n_head, k_keep=k_keep,
                          n_cores=info.num_cores),
        out_type=(jax.ShapeDtypeStruct((bh, k_keep, dw), jnp.bfloat16),
                  jax.ShapeDtypeStruct((bh, k_keep, dw), jnp.bfloat16)),
        mesh=mesh,
        compiler_params=pltpu.CompilerParams(
            use_tc_tiling_on_sc=False, needs_layout_passes=False),
        scratch_types=[
            pltpu.VMEM((t,), jnp.float32),
            pltpu.VMEM((128,), jnp.float32),
            pltpu.VMEM((k_keep,), jnp.int32),
            pltpu.VMEM((k_keep,), jnp.int32),
            pltpu.VMEM((k_keep, dw), jnp.bfloat16),
            pltpu.VMEM((k_keep, dw), jnp.bfloat16),
            pltpu.SemaphoreType.DMA,
        ],
    )
    return fn(imp, thr, kv)


def _pruned_attn_kernel(q_ref, k_ref, v_ref, o_ref, *, scale):
    q = q_ref[0, 0, :, :]
    k = k_ref[0, :, :]
    v = v_ref[0, :, :]
    s = jax.lax.dot_general(
        q, k, (((1,), (1,)), ((), ())),
        preferred_element_type=jnp.float32) * scale
    m = jnp.max(s, axis=1, keepdims=True)
    p = jnp.exp(s - m)
    l = jnp.sum(p, axis=1, keepdims=True)
    o = jax.lax.dot_general(
        p.astype(jnp.bfloat16), v, (((1,), (0,)), ((), ())),
        preferred_element_type=jnp.float32) / l
    o_ref[0, 0, :, :] = o.astype(jnp.bfloat16)


def _proj_kernel(x_ref, w_ref, o_ref, acc_ref):
    h = pl.program_id(2)

    @pl.when(h == 0)
    def _():
        acc_ref[...] = jnp.zeros_like(acc_ref)

    acc_ref[...] += jax.lax.dot_general(
        x_ref[0, 0, :, :], w_ref[0, :, :],
        (((1,), (0,)), ((), ())),
        preferred_element_type=jnp.float32)

    @pl.when(h == pl.num_programs(2) - 1)
    def _():
        o_ref[0, :, :] = acc_ref[...]


def _forward(x, w_attn, w_proj, n_head, k_keep, recency, bq,
             interpret=False):
    b, t, c = x.shape
    dh = c // n_head
    scale = np.float32(1.0 / np.sqrt(dh))
    nq = t // bq
    bm = bq
    nm = t // bm

    x2 = x.reshape(b * t, c).astype(jnp.bfloat16)
    w_attn = w_attn.astype(jnp.bfloat16)
    bn = int(np.gcd(8 * dh, 3 * c))
    hpb = bn // dh
    qkv = pl.pallas_call(
        functools.partial(_qkv_kernel, hpb=hpb, dh=dh),
        grid=(b * t // bm, 3 * c // bn),
        in_specs=[
            pl.BlockSpec((bm, c), lambda i, j: (i, 0)),
            pl.BlockSpec((c, bn), lambda i, j: (0, j)),
        ],
        out_specs=pl.BlockSpec(
            (hpb, 1, bm, dh),
            lambda i, j, _nm=nm: (j, i // _nm, i % _nm, 0)),
        out_shape=jax.ShapeDtypeStruct((3 * n_head, b, t, dh), jnp.bfloat16),
        interpret=interpret,
    )(x2, w_attn)

    grid = (b, n_head, nq)
    q_spec = pl.BlockSpec((1, 1, bq, dh), lambda bi, h, qi: (h, bi, qi, 0))
    k_spec = pl.BlockSpec((1, 1, t, dh),
                          lambda bi, h, qi: (h + n_head, bi, 0, 0))

    imp, thr = pl.pallas_call(
        functools.partial(_importance_kernel, t=t, bq=bq, scale=scale,
                          k_keep=k_keep, recency=recency),
        grid=grid,
        in_specs=[q_spec, k_spec],
        out_specs=[
            pl.BlockSpec((1, 1, t), lambda bi, h, qi: (bi * n_head + h, 0, 0)),
            pl.BlockSpec((1, 1, 128),
                         lambda bi, h, qi: (bi * n_head + h, 0, 0)),
        ],
        out_shape=[
            jax.ShapeDtypeStruct((b * n_head, 1, t), jnp.float32),
            jax.ShapeDtypeStruct((b * n_head, 1, 128), jnp.float32),
        ],
        scratch_shapes=[pltpu.VMEM((1, t), jnp.float32)],
        interpret=interpret,
    )(qkv, qkv)

    kk, vv = _sc_select_gather(
        imp.reshape(b * n_head, t), thr.reshape(b * n_head, 128),
        qkv.reshape(3 * n_head * b * t, dh),
        b, t, n_head, k_keep, dh)

    kk_spec = pl.BlockSpec((1, k_keep, dh),
                           lambda bi, h, qi: (bi * n_head + h, 0, 0))
    out_heads = pl.pallas_call(
        functools.partial(_pruned_attn_kernel, scale=scale),
        grid=grid,
        in_specs=[q_spec, kk_spec, kk_spec],
        out_specs=pl.BlockSpec((1, 1, bq, dh),
                               lambda bi, h, qi: (h, bi, qi, 0)),
        out_shape=jax.ShapeDtypeStruct((n_head, b, t, dh), jnp.bfloat16),
        interpret=interpret,
    )(qkv, kk, vv)

    w3 = w_proj.reshape(n_head, dh, c).astype(jnp.bfloat16)
    out = pl.pallas_call(
        _proj_kernel,
        grid=(b, nm, n_head),
        in_specs=[
            pl.BlockSpec((1, 1, bm, dh), lambda bi, mi, h: (h, bi, mi, 0)),
            pl.BlockSpec((1, dh, c), lambda bi, mi, h: (h, 0, 0)),
        ],
        out_specs=pl.BlockSpec((1, bm, c), lambda bi, mi, h: (bi, mi, 0)),
        out_shape=jax.ShapeDtypeStruct((b, t, c), jnp.float32),
        scratch_shapes=[pltpu.VMEM((bm, c), jnp.float32)],
        interpret=interpret,
    )(out_heads, w3)
    return out


def kernel(x, W_attn, W_proj):
    return _forward(x, W_attn, W_proj, n_head=N_HEAD, k_keep=K_KEEP,
                    recency=RECENCY, bq=256)

# --- scband reference (transcript-rebuilt; emitter-appended) ---
"""Pipeline reference for scband-pruned-kvattention-30983894073600 (READ-ONLY COPY).

The authoritative reference and input builder live on the scoring server;
editing this copy changes nothing except your own understanding.
"""

import jax, jax.numpy as jnp
import numpy as np

N_HEAD = 16
K_KEEP = 512
RECENCY = 64


def setup_inputs(seed: int = 0) -> dict:
    key = jax.random.key(seed)
    k1, k2, k3 = jax.random.split(key, 3)
    x = jax.random.normal(k1, (2, 2048, 1024), dtype=jnp.float32)
    W_attn = jax.random.normal(k2, (1024, 3072), dtype=jnp.float32) * 0.02
    W_proj = jax.random.normal(k3, (1024, 1024), dtype=jnp.float32) * 0.02
    return {"x": x, "W_attn": W_attn, "W_proj": W_proj}


def reference(x, W_attn, W_proj):
    B, T, C = x.shape
    H = N_HEAD
    Dh = C // H
    inv_sqrt_d = 1.0 / np.sqrt(Dh).astype(np.float32)

    qkv = x @ W_attn  # [B, T, 3C]
    q, k, v = jnp.split(qkv, 3, axis=2)
    q = q.reshape(B, T, H, Dh).transpose(0, 2, 1, 3)  # [B,H,T,Dh]
    k = k.reshape(B, T, H, Dh).transpose(0, 2, 1, 3)
    v = v.reshape(B, T, H, Dh).transpose(0, 2, 1, 3)

    # full causal attention scores for importance estimation
    scores = jnp.einsum('bhqd,bhkd->bhqk', q, k) * inv_sqrt_d
    causal = jnp.tril(jnp.ones((T, T), dtype=bool))
    scores = jnp.where(causal[None, None, :, :], scores, -jnp.inf)
    attn_weights = jax.nn.softmax(scores, axis=-1)  # [B,H,T,T]

    # mean importance over query dim
    mean_importance = attn_weights.mean(axis=2)  # [B,H,T]
    # force-keep recent tokens
    mean_importance = mean_importance.at[:, :, -RECENCY:].set(1.0)

    # deterministic top-k (use_sampling disabled since T <= sampling_threshold)
    _, idx = jax.lax.top_k(mean_importance, K_KEEP)  # [B,H,K]

    # gather pruned K/V
    idx_e = idx[..., None]  # [B,H,K,1]
    K_keep = jnp.take_along_axis(k, idx_e, axis=2)  # [B,H,K,Dh]
    V_keep = jnp.take_along_axis(v, idx_e, axis=2)

    # second attention pass over pruned keys (legacy double-softmax)
    attn_scores = jnp.einsum('bhqd,bhkd->bhqk', q, K_keep) * inv_sqrt_d
    attn = jax.nn.softmax(attn_scores, axis=-1)
    out = jnp.einsum('bhqk,bhkd->bhqd', attn, V_keep)  # [B,H,T,Dh]

    out = out.transpose(0, 2, 1, 3).reshape(B, T, C)
    out = out @ W_proj
    return out

if __name__ == "__main__":
    import jax
    _d = setup_inputs()
    print(jax.jit(kernel)(*tuple(_d.values())))

</pallas_src>

<mosaic_0001>
#map = affine_map<(d0, d1) -> (0, 0)>
#map1 = affine_map<(d0, d1) -> (0, 0, 0)>
module attributes {stable_mosaic.version = 14 : i64} {
  func.func @_sc_body(%arg0: i32, %arg1: i32, %arg2: memref<32x2048xf32, #tpu.memory_space<hbm>>, %arg3: memref<32x128xf32, #tpu.memory_space<hbm>>, %arg4: memref<196608x64xbf16, #tpu.memory_space<hbm>>, %arg5: memref<32x512x64xbf16, #tpu.memory_space<hbm>>, %arg6: memref<32x512x64xbf16, #tpu.memory_space<hbm>>, %arg7: memref<2048xf32, #tpu.memory_space<vmem>>, %arg8: memref<128xf32, #tpu.memory_space<vmem>>, %arg9: memref<512xi32, #tpu.memory_space<vmem>>, %arg10: memref<512xi32, #tpu.memory_space<vmem>>, %arg11: memref<512x64xbf16, #tpu.memory_space<vmem>>, %arg12: memref<512x64xbf16, #tpu.memory_space<vmem>>, %arg13: memref<!tpu.dma_semaphore, #tpu.memory_space<semaphore_mem>>) attributes {dimension_semantics = [#tpu.dimension_semantics<core_parallel>, #tpu.dimension_semantics<subcore_parallel>], iteration_bounds = array<i64: 2, 16>, scalar_prefetch = 0 : i64, scratch_operands = 7 : i64, tpu.core_type = #tpu.core_type<sc_vector_subcore>, window_params = [{transform_indices = #map}, {transform_indices = #map}, {transform_indices = #map}, {transform_indices = #map1}, {transform_indices = #map1}]} {
    %mul3A = arith.constant 2 : i32
    %mul3A_0 = arith.muli %arg1, %mul3A : i32
    %add3A = arith.addi %mul3A_0, %arg0 : i32
    %jit3A = arith.constant 16 : i32
    %div3A = arith.divsi %add3A, %jit3A : i32
    %sign3A = arith.constant 0 : i32
    %sign3A_1 = arith.cmpi sgt, %add3A, %sign3A : i32
    %sign3A_2 = arith.extui %sign3A_1 : i1 to i32
    %sign3A_3 = arith.constant 0 : i32
    %sign3A_4 = arith.cmpi slt, %add3A, %sign3A_3 : i32
    %sign3A_5 = arith.extui %sign3A_4 : i1 to i32
    %sign3A_6 = arith.subi %sign3A_2, %sign3A_5 : i32
    %sign3A_7 = arith.constant 0 : i32
    %sign3A_8 = arith.cmpi sgt, %jit3A, %sign3A_7 : i32
    %sign3A_9 = arith.extui %sign3A_8 : i1 to i32
    %sign3A_10 = arith.constant 0 : i32
    %sign3A_11 = arith.cmpi slt, %jit3A, %sign3A_10 : i32
    %sign3A_12 = arith.extui %sign3A_11 : i1 to i32
    %sign3A_13 = arith.subi %sign3A_9, %sign3A_12 : i32
    %ne3A = arith.cmpi ne, %sign3A_6, %sign3A_13 : i32
    %rem3A = arith.remsi %add3A, %jit3A : i32
    %ne3A_14 = arith.constant 0 : i32
    %ne3A_15 = arith.cmpi ne, %rem3A, %ne3A_14 : i32
    %and3A = arith.andi %ne3A, %ne3A_15 : i1
    %sub3A = arith.constant 1 : i32
    %sub3A_16 = arith.subi %div3A, %sub3A : i32
    %select_n3A = arith.select %and3A, %sub3A_16, %div3A : i32
    %jit3A_17 = arith.constant 16 : i32
    %eq3A = arith.constant 0 : i32
    %eq3A_18 = arith.cmpi eq, %jit3A_17, %eq3A : i32
    %jit3A_19 = arith.constant 1 : i32
    %select_n3A_20 = arith.select %eq3A_18, %jit3A_19, %jit3A_17 : i32
    %rem3A_21 = arith.remsi %add3A, %select_n3A_20 : i32
    %ne3A_22 = arith.constant 0 : i32
    %ne3A_23 = arith.cmpi ne, %rem3A_21, %ne3A_22 : i32
    %lt3A = arith.constant 0 : i32
    %lt3A_24 = arith.cmpi slt, %rem3A_21, %lt3A : i32
    %lt3A_25 = arith.constant 0 : i32
    %lt3A_26 = arith.cmpi slt, %select_n3A_20, %lt3A_25 : i32
    %ne3A_27 = arith.xori %lt3A_24, %lt3A_26 : i1
    %and3A_28 = arith.andi %ne3A_27, %ne3A_23 : i1
    %add3A_29 = arith.addi %rem3A_21, %select_n3A_20 : i32
    %select_n3A_30 = arith.select %and3A_28, %add3A_29, %rem3A_21 : i32
    %add3A_31 = arith.constant 16 : i32
    %add3A_32 = arith.addi %add3A_31, %select_n3A_30 : i32
    %mul3A_33 = arith.constant 4096 : i32
    %mul3A_34 = arith.muli %add3A_32, %mul3A_33 : i32
    %mul3A_35 = arith.constant 2048 : i32
    %mul3A_36 = arith.muli %select_n3A, %mul3A_35 : i32
    %add3A_37 = arith.addi %mul3A_34, %mul3A_36 : i32
    %add3A_38 = arith.constant 32 : i32
    %add3A_39 = arith.addi %add3A_38, %select_n3A_30 : i32
    %mul3A_40 = arith.constant 4096 : i32
    %mul3A_41 = arith.muli %add3A_39, %mul3A_40 : i32
    %mul3A_42 = arith.constant 2048 : i32
    %mul3A_43 = arith.muli %select_n3A, %mul3A_42 : i32
    %add3A_44 = arith.addi %mul3A_41, %mul3A_43 : i32
    "tpu.region"() ({
      %run_scoped3A = tpu.sem_alloc : memref<!tpu.dma_semaphore, #tpu.memory_space<semaphore_mem>>
      %dma_start3A_60 = arith.constant 0 : i32
      %dma_start3A_61 = tpu.memref_slice %arg2[%add3A, %dma_start3A_60] : memref<32x2048xf32, #tpu.memory_space<hbm>> -> memref<1x2048xf32, #tpu.memory_space<hbm>>
      %dma_start3A_62 = tpu.memref_squeeze %dma_start3A_61 : memref<1x2048xf32, #tpu.memory_space<hbm>> -> memref<2048xf32, #tpu.memory_space<hbm>>
      %dma_start3A_63 = arith.constant 0 : i32
      %dma_start3A_64 = tpu.memref_slice %arg2[%add3A, %dma_start3A_63] : memref<32x2048xf32, #tpu.memory_space<hbm>> -> memref<1x2048xf32, #tpu.memory_space<hbm>>
      %dma_start3A_65 = tpu.memref_squeeze %dma_start3A_64 : memref<1x2048xf32, #tpu.memory_space<hbm>> -> memref<2048xf32, #tpu.memory_space<hbm>>
      tpu.enqueue_dma source(%dma_start3A_65 : memref<2048xf32, #tpu.memory_space<hbm>>) target(%arg7 : memref<2048xf32, #tpu.memory_space<vmem>>) target_semaphore(%run_scoped3A : memref<!tpu.dma_semaphore, #tpu.memory_space<semaphore_mem>>)
      %dma_wait3A_66 = arith.constant 0 : i32
      %dma_wait3A_67 = tpu.memref_slice %arg2[%add3A, %dma_wait3A_66] : memref<32x2048xf32, #tpu.memory_space<hbm>> -> memref<1x2048xf32, #tpu.memory_space<hbm>>
      %dma_wait3A_68 = tpu.memref_squeeze %dma_wait3A_67 : memref<1x2048xf32, #tpu.memory_space<hbm>> -> memref<2048xf32, #tpu.memory_space<hbm>>
      %dma_wait3A_69 = arith.constant 0 : i32
      %dma_wait3A_70 = tpu.memref_slice %arg2[%add3A, %dma_wait3A_69] : memref<32x2048xf32, #tpu.memory_space<hbm>> -> memref<1x2048xf32, #tpu.memory_space<hbm>>
      %dma_wait3A_71 = tpu.memref_squeeze %dma_wait3A_70 : memref<1x2048xf32, #tpu.memory_space<hbm>> -> memref<2048xf32, #tpu.memory_space<hbm>>
      tpu.wait_dma2 semaphore(%run_scoped3A : memref<!tpu.dma_semaphore, #tpu.memory_space<semaphore_mem>>) src(%dma_wait3A_71 : memref<2048xf32, #tpu.memory_space<hbm>>) dst(%arg7 : memref<2048xf32, #tpu.memory_space<vmem>>)
      tpu.yield
    }) : () -> ()
    "tpu.region"() ({
      %run_scoped3A = tpu.sem_alloc : memref<!tpu.dma_semaphore, #tpu.memory_space<semaphore_mem>>
      %dma_start3A_60 = arith.constant 0 : i32
      %dma_start3A_61 = tpu.memref_slice %arg3[%add3A, %dma_start3A_60] : memref<32x128xf32, #tpu.memory_space<hbm>> -> memref<1x128xf32, #tpu.memory_space<hbm>>
      %dma_start3A_62 = tpu.memref_squeeze %dma_start3A_61 : memref<1x128xf32, #tpu.memory_space<hbm>> -> memref<128xf32, #tpu.memory_space<hbm>>
      %dma_start3A_63 = arith.constant 0 : i32
      %dma_start3A_64 = tpu.memref_slice %arg3[%add3A, %dma_start3A_63] : memref<32x128xf32, #tpu.memory_space<hbm>> -> memref<1x128xf32, #tpu.memory_space<hbm>>
      %dma_start3A_65 = tpu.memref_squeeze %dma_start3A_64 : memref<1x128xf32, #tpu.memory_space<hbm>> -> memref<128xf32, #tpu.memory_space<hbm>>
      tpu.enqueue_dma source(%dma_start3A_65 : memref<128xf32, #tpu.memory_space<hbm>>) target(%arg8 : memref<128xf32, #tpu.memory_space<vmem>>) target_semaphore(%run_scoped3A : memref<!tpu.dma_semaphore, #tpu.memory_space<semaphore_mem>>)
      %dma_wait3A_66 = arith.constant 0 : i32
      %dma_wait3A_67 = tpu.memref_slice %arg3[%add3A, %dma_wait3A_66] : memref<32x128xf32, #tpu.memory_space<hbm>> -> memref<1x128xf32, #tpu.memory_space<hbm>>
      %dma_wait3A_68 = tpu.memref_squeeze %dma_wait3A_67 : memref<1x128xf32, #tpu.memory_space<hbm>> -> memref<128xf32, #tpu.memory_space<hbm>>
      %dma_wait3A_69 = arith.constant 0 : i32
      %dma_wait3A_70 = tpu.memref_slice %arg3[%add3A, %dma_wait3A_69] : memref<32x128xf32, #tpu.memory_space<hbm>> -> memref<1x128xf32, #tpu.memory_space<hbm>>
      %dma_wait3A_71 = tpu.memref_squeeze %dma_wait3A_70 : memref<1x128xf32, #tpu.memory_space<hbm>> -> memref<128xf32, #tpu.memory_space<hbm>>
      tpu.wait_dma2 semaphore(%run_scoped3A : memref<!tpu.dma_semaphore, #tpu.memory_space<semaphore_mem>>) src(%dma_wait3A_71 : memref<128xf32, #tpu.memory_space<hbm>>) dst(%arg8 : memref<128xf32, #tpu.memory_space<vmem>>)
      tpu.yield
    }) : () -> ()
    %get3A = arith.constant 0 : index
    %get3A_45 = tpu.vector_load %arg8[%get3A] {strides = array<i32>} : memref<128xf32, #tpu.memory_space<vmem>>, vector<16xf32>,
    %iota3A = tpu.iota {dimensions = array<i32: 0>} : vector<16xi32>
    %parallel_loop3A = arith.constant 0 : i32
    %parallel_loop3A_46 = arith.constant 128 : i32
    %parallel_loop3A_47 = arith.constant 1 : i32
    %parallel_loop3A_48 = arith.constant 0 : i32
    %parallel_loop3A_49 = scf.for %parallel_loop3A_60 = %parallel_loop3A to %parallel_loop3A_46 step %parallel_loop3A_47 iter_args(%parallel_loop3A_61 = %parallel_loop3A_48) -> (i32)  : i32 {
      %parallel_loop3A_62 = arith.constant 16 : i32
      %parallel_loop3A_63 = arith.muli %parallel_loop3A_60, %parallel_loop3A_62 : i32
      %parallel_loop3A_64 = arith.index_cast %parallel_loop3A_63 : i32 to index
      %parallel_loop3A_65 = tpu.vector_load %arg7[%parallel_loop3A_64] {strides = array<i32>} : memref<2048xf32, #tpu.memory_space<vmem>>, vector<16xf32>,
      %parallel_loop3A_66 = arith.cmpf oge, %parallel_loop3A_65, %get3A_45 : vector<16xf32>
      %parallel_loop3A_67 = arith.extui %parallel_loop3A_66 : vector<16xi1> to vector<16xi32>
      %parallel_loop3A_68 = arith.constant true
      %parallel_loop3A_69 = vector.broadcast %parallel_loop3A_68 : i1 to vector<16xi1>
      %parallel_loop3A_70 = tpu.scan <sum>, %parallel_loop3A_67 masked %parallel_loop3A_69 : vector<16xi32>, vector<16xi1> -> vector<16xi32>
      %parallel_loop3A_71 = vector.broadcast %parallel_loop3A_61 : i32 to vector<16xi32>
      %parallel_loop3A_72 = arith.addi %parallel_loop3A_71, %parallel_loop3A_70 : vector<16xi32>
      %parallel_loop3A_73 = arith.constant 1 : i32
      %parallel_loop3A_74 = vector.broadcast %parallel_loop3A_73 : i32 to vector<16xi32>
      %parallel_loop3A_75 = arith.subi %parallel_loop3A_72, %parallel_loop3A_74 : vector<16xi32>
      %parallel_loop3A_76 = arith.constant 512 : i32
      %parallel_loop3A_77 = vector.broadcast %parallel_loop3A_76 : i32 to vector<16xi32>
      %parallel_loop3A_78 = arith.cmpi slt, %parallel_loop3A_75, %parallel_loop3A_77 : vector<16xi32>
      %parallel_loop3A_79 = arith.andi %parallel_loop3A_66, %parallel_loop3A_78 : vector<16xi1>
      %parallel_loop3A_80 = arith.constant 16 : i32
      %parallel_loop3A_81 = arith.muli %parallel_loop3A_60, %parallel_loop3A_80 : i32
      %parallel_loop3A_82 = vector.broadcast %parallel_loop3A_81 : i32 to vector<16xi32>
      %parallel_loop3A_83 = arith.addi %parallel_loop3A_82, %iota3A : vector<16xi32>
      %parallel_loop3A_84 = vector.broadcast %add3A_37 : i32 to vector<16xi32>
      %parallel_loop3A_85 = arith.addi %parallel_loop3A_83, %parallel_loop3A_84 : vector<16xi32>
      tpu.vector_store_idx %arg9[%parallel_loop3A_75], %parallel_loop3A_85 masked %parallel_loop3A_79 : memref<512xi32, #tpu.memory_space<vmem>>[vector<16xi32>], vector<16xi32>, vector<16xi1>
      %parallel_loop3A_86 = vector.broadcast %add3A_44 : i32 to vector<16xi32>
      %parallel_loop3A_87 = arith.addi %parallel_loop3A_83, %parallel_loop3A_86 : vector<16xi32>
      tpu.vector_store_idx %arg10[%parallel_loop3A_75], %parallel_loop3A_87 masked %parallel_loop3A_79 : memref<512xi32, #tpu.memory_space<vmem>>[vector<16xi32>], vector<16xi32>, vector<16xi1>
      %parallel_loop3A_88 = arith.constant true
      %parallel_loop3A_89 = vector.broadcast %parallel_loop3A_88 : i1 to vector<16xi1>
      %parallel_loop3A_90 = tpu.scan <sum>, %parallel_loop3A_67 masked %parallel_loop3A_89 : vector<16xi32>, vector<16xi1> -> vector<16xi32>
      %parallel_loop3A_91 = vector.extract %parallel_loop3A_90[15] : i32 from vector<16xi32>
      %parallel_loop3A_92 = arith.addi %parallel_loop3A_61, %parallel_loop3A_91 : i32
      scf.yield %parallel_loop3A_92 : i32
    } {sc.loop_unroll_factor = 8 : i64, sc.parallel_access}
    %dma_start3A = arith.constant 0 : i32
    %dma_start3A_50 = arith.constant 0 : i32
    %dma_start3A_51 = tpu.memref_slice %arg4[%dma_start3A, %dma_start3A_50] : memref<196608x64xbf16, #tpu.memory_space<hbm>> -> memref<196608x64xbf16, #tpu.memory_space<hbm>>
    tpu.enqueue_indirect_dma source(%dma_start3A_51 : memref<196608x64xbf16, #tpu.memory_space<hbm>>) target(%arg11 : memref<512x64xbf16, #tpu.memory_space<vmem>>) offsets(%arg9 : memref<512xi32, #tpu.memory_space<vmem>>) semaphore(%arg13 : memref<!tpu.dma_semaphore, #tpu.memory_space<semaphore_mem>>)
    %dma_wait3A = arith.constant 0 : i32
    %dma_wait3A_52 = arith.constant 0 : i32
    %dma_wait3A_53 = tpu.memref_slice %arg4[%dma_wait3A, %dma_wait3A_52] : memref<196608x64xbf16, #tpu.memory_space<hbm>> -> memref<196608x64xbf16, #tpu.memory_space<hbm>>
    tpu.wait_indirect_dma semaphore(%arg13 : memref<!tpu.dma_semaphore, #tpu.memory_space<semaphore_mem>>) src(%dma_wait3A_53 : memref<196608x64xbf16, #tpu.memory_space<hbm>>) dst(%arg11 : memref<512x64xbf16, #tpu.memory_space<vmem>>)
    %dma_start3A_54 = arith.constant 0 : i32
    %dma_start3A_55 = arith.constant 0 : i32
    %dma_start3A_56 = tpu.memref_slice %arg4[%dma_start3A_54, %dma_start3A_55] : memref<196608x64xbf16, #tpu.memory_space<hbm>> -> memref<196608x64xbf16, #tpu.memory_space<hbm>>
    tpu.enqueue_indirect_dma source(%dma_start3A_56 : memref<196608x64xbf16, #tpu.memory_space<hbm>>) target(%arg12 : memref<512x64xbf16, #tpu.memory_space<vmem>>) offsets(%arg10 : memref<512xi32, #tpu.memory_space<vmem>>) semaphore(%arg13 : memref<!tpu.dma_semaphore, #tpu.memory_space<semaphore_mem>>)
    %dma_wait3A_57 = arith.constant 0 : i32
    %dma_wait3A_58 = arith.constant 0 : i32
    %dma_wait3A_59 = tpu.memref_slice %arg4[%dma_wait3A_57, %dma_wait3A_58] : memref<196608x64xbf16, #tpu.memory_space<hbm>> -> memref<196608x64xbf16, #tpu.memory_space<hbm>>
    tpu.wait_indirect_dma semaphore(%arg13 : memref<!tpu.dma_semaphore, #tpu.memory_space<semaphore_mem>>) src(%dma_wait3A_59 : memref<196608x64xbf16, #tpu.memory_space<hbm>>) dst(%arg12 : memref<512x64xbf16, #tpu.memory_space<vmem>>)
    "tpu.region"() ({
      %run_scoped3A = tpu.sem_alloc : memref<!tpu.dma_semaphore, #tpu.memory_space<semaphore_mem>>
      %dma_start3A_60 = arith.constant 0 : i32
      %dma_start3A_61 = arith.constant 0 : i32
      %dma_start3A_62 = tpu.memref_slice %arg5[%add3A, %dma_start3A_60, %dma_start3A_61] : memref<32x512x64xbf16, #tpu.memory_space<hbm>> -> memref<1x512x64xbf16, #tpu.memory_space<hbm>>
      %dma_start3A_63 = tpu.memref_squeeze %dma_start3A_62 : memref<1x512x64xbf16, #tpu.memory_space<hbm>> -> memref<512x64xbf16, #tpu.memory_space<hbm>>
      %dma_start3A_64 = arith.constant 0 : i32
      %dma_start3A_65 = arith.constant 0 : i32
      %dma_start3A_66 = tpu.memref_slice %arg5[%add3A, %dma_start3A_64, %dma_start3A_65] : memref<32x512x64xbf16, #tpu.memory_space<hbm>> -> memref<1x512x64xbf16, #tpu.memory_space<hbm>>
      %dma_start3A_67 = tpu.memref_squeeze %dma_start3A_66 : memref<1x512x64xbf16, #tpu.memory_space<hbm>> -> memref<512x64xbf16, #tpu.memory_space<hbm>>
      tpu.enqueue_dma source(%arg11 : memref<512x64xbf16, #tpu.memory_space<vmem>>) target(%dma_start3A_67 : memref<512x64xbf16, #tpu.memory_space<hbm>>) target_semaphore(%run_scoped3A : memref<!tpu.dma_semaphore, #tpu.memory_space<semaphore_mem>>)
      %dma_wait3A_68 = arith.constant 0 : i32
      %dma_wait3A_69 = arith.constant 0 : i32
      %dma_wait3A_70 = tpu.memref_slice %arg5[%add3A, %dma_wait3A_68, %dma_wait3A_69] : memref<32x512x64xbf16, #tpu.memory_space<hbm>> -> memref<1x512x64xbf16, #tpu.memory_space<hbm>>
      %dma_wait3A_71 = tpu.memref_squeeze %dma_wait3A_70 : memref<1x512x64xbf16, #tpu.memory_space<hbm>> -> memref<512x64xbf16, #tpu.memory_space<hbm>>
      %dma_wait3A_72 = arith.constant 0 : i32
      %dma_wait3A_73 = arith.constant 0 : i32
      %dma_wait3A_74 = tpu.memref_slice %arg5[%add3A, %dma_wait3A_72, %dma_wait3A_73] : memref<32x512x64xbf16, #tpu.memory_space<hbm>> -> memref<1x512x64xbf16, #tpu.memory_space<hbm>>
      %dma_wait3A_75 = tpu.memref_squeeze %dma_wait3A_74 : memref<1x512x64xbf16, #tpu.memory_space<hbm>> -> memref<512x64xbf16, #tpu.memory_space<hbm>>
      tpu.wait_dma2 semaphore(%run_scoped3A : memref<!tpu.dma_semaphore, #tpu.memory_space<semaphore_mem>>) src(%arg11 : memref<512x64xbf16, #tpu.memory_space<vmem>>) dst(%dma_wait3A_75 : memref<512x64xbf16, #tpu.memory_space<hbm>>)
      tpu.yield
    }) : () -> ()
    "tpu.region"() ({
      %run_scoped3A = tpu.sem_alloc : memref<!tpu.dma_semaphore, #tpu.memory_space<semaphore_mem>>
      %dma_start3A_60 = arith.constant 0 : i32
      %dma_start3A_61 = arith.constant 0 : i32
      %dma_start3A_62 = tpu.memref_slice %arg6[%add3A, %dma_start3A_60, %dma_start3A_61] : memref<32x512x64xbf16, #tpu.memory_space<hbm>> -> memref<1x512x64xbf16, #tpu.memory_space<hbm>>
      %dma_start3A_63 = tpu.memref_squeeze %dma_start3A_62 : memref<1x512x64xbf16, #tpu.memory_space<hbm>> -> memref<512x64xbf16, #tpu.memory_space<hbm>>
      %dma_start3A_64 = arith.constant 0 : i32
      %dma_start3A_65 = arith.constant 0 : i32
      %dma_start3A_66 = tpu.memref_slice %arg6[%add3A, %dma_start3A_64, %dma_start3A_65] : memref<32x512x64xbf16, #tpu.memory_space<hbm>> -> memref<1x512x64xbf16, #tpu.memory_space<hbm>>
      %dma_start3A_67 = tpu.memref_squeeze %dma_start3A_66 : memref<1x512x64xbf16, #tpu.memory_space<hbm>> -> memref<512x64xbf16, #tpu.memory_space<hbm>>
      tpu.enqueue_dma source(%arg12 : memref<512x64xbf16, #tpu.memory_space<vmem>>) target(%dma_start3A_67 : memref<512x64xbf16, #tpu.memory_space<hbm>>) target_semaphore(%run_scoped3A : memref<!tpu.dma_semaphore, #tpu.memory_space<semaphore_mem>>)
      %dma_wait3A_68 = arith.constant 0 : i32
      %dma_wait3A_69 = arith.constant 0 : i32
      %dma_wait3A_70 = tpu.memref_slice %arg6[%add3A, %dma_wait3A_68, %dma_wait3A_69] : memref<32x512x64xbf16, #tpu.memory_space<hbm>> -> memref<1x512x64xbf16, #tpu.memory_space<hbm>>
      %dma_wait3A_71 = tpu.memref_squeeze %dma_wait3A_70 : memref<1x512x64xbf16, #tpu.memory_space<hbm>> -> memref<512x64xbf16, #tpu.memory_space<hbm>>
      %dma_wait3A_72 = arith.constant 0 : i32
      %dma_wait3A_73 = arith.constant 0 : i32
      %dma_wait3A_74 = tpu.memref_slice %arg6[%add3A, %dma_wait3A_72, %dma_wait3A_73] : memref<32x512x64xbf16, #tpu.memory_space<hbm>> -> memref<1x512x64xbf16, #tpu.memory_space<hbm>>
      %dma_wait3A_75 = tpu.memref_squeeze %dma_wait3A_74 : memref<1x512x64xbf16, #tpu.memory_space<hbm>> -> memref<512x64xbf16, #tpu.memory_space<hbm>>
      tpu.wait_dma2 semaphore(%run_scoped3A : memref<!tpu.dma_semaphore, #tpu.memory_space<semaphore_mem>>) src(%arg12 : memref<512x64xbf16, #tpu.memory_space<vmem>>) dst(%dma_wait3A_75 : memref<512x64xbf16, #tpu.memory_space<hbm>>)
      tpu.yield
    }) : () -> ()
    return
  }
}

module attributes {stable_mosaic.version = 14 : i64} {
  func.func @_qkv_kernel(%arg0: i32, %arg1: i32, %arg2: memref<256x1024xbf16, #tpu.memory_space<vmem>>, %arg3: memref<1024x512xbf16, #tpu.memory_space<vmem>>, %arg4: memref<8x1x256x64xbf16, #tpu.memory_space<vmem>>) attributes {dimension_semantics = [#tpu.dimension_semantics<arbitrary>, #tpu.dimension_semantics<arbitrary>], iteration_bounds = array<i64: 16, 6>, scalar_prefetch = 0 : i64, scratch_operands = 0 : i64, tpu.core_type = #tpu.core_type<tc>, window_params = [{transform_indices = @transform_0, window_bounds = array<i64: 256, 1024>}, {transform_indices = @transform_1, window_bounds = array<i64: 1024, 512>}, {transform_indices = @transform_2, window_bounds = array<i64: 8, 1, 256, 64>}]} {
    %get3A = arith.constant 0 : index
    %get3A_0 = arith.constant 0 : index
    %get3A_1 = vector.load %arg2[%get3A, %get3A_0] : memref<256x1024xbf16, #tpu.memory_space<vmem>>, vector<256x1024xbf16>
    %get3A_2 = arith.constant 0 : index
    %get3A_3 = arith.constant 0 : index
    %get3A_4 = vector.load %arg3[%get3A_2, %get3A_3] : memref<1024x512xbf16, #tpu.memory_space<vmem>>, vector<1024x512xbf16>
    %dot_general3A = arith.constant dense<0.000000e+00> : vector<256x512xf32>
    %dot_general3A_5 = tpu.matmul %get3A_1, %get3A_4, %dot_general3A {dimension_numbers = #tpu.dot_dimension_numbers<[1], [0], [0], [1], [0, 0, 1, 1], [], []>, transpose_lhs_hint = false} : vector<256x1024xbf16>, vector<1024x512xbf16>, vector<256x512xf32> -> vector<256x512xf32>
    %convert_element_type3A = arith.truncf %dot_general3A_5 : vector<256x512xf32> to vector<256x512xbf16>
    %slice3A = vector.extract_strided_slice %convert_element_type3A {offsets = [0, 0], sizes = [256, 64], strides = [1, 1]} : vector<256x512xbf16> to vector<256x64xbf16>
    %swap3A = arith.constant 0 : index
    %swap3A_6 = arith.constant 0 : index
    %swap3A_7 = arith.constant 0 : index
    %swap3A_8 = arith.constant 0 : index
    %swap3A_9 = vector.load %arg4[%swap3A, %swap3A_6, %swap3A_7, %swap3A_8] : memref<8x1x256x64xbf16, #tpu.memory_space<vmem>>, vector<1x1x256x64xbf16>
    %swap3A_10 = vector.shape_cast %swap3A_9 : vector<1x1x256x64xbf16> to vector<256x64xbf16>
    %swap3A_11 = vector.shape_cast %slice3A : vector<256x64xbf16> to vector<1x1x256x64xbf16>
    tpu.vector_store %arg4[%swap3A, %swap3A_6, %swap3A_7, %swap3A_8], %swap3A_11 {strides = array<i32>} : memref<8x1x256x64xbf16, #tpu.memory_space<vmem>>, vector<1x1x256x64xbf16>,
    %slice3A_12 = vector.extract_strided_slice %convert_element_type3A {offsets = [0, 64], sizes = [256, 64], strides = [1, 1]} : vector<256x512xbf16> to vector<256x64xbf16>
    %swap3A_13 = arith.constant 1 : index
    %swap3A_14 = arith.constant 0 : index
    %swap3A_15 = arith.constant 0 : index
    %swap3A_16 = arith.constant 0 : index
    %swap3A_17 = vector.load %arg4[%swap3A_13, %swap3A_14, %swap3A_15, %swap3A_16] : memref<8x1x256x64xbf16, #tpu.memory_space<vmem>>, vector<1x1x256x64xbf16>
    %swap3A_18 = vector.shape_cast %swap3A_17 : vector<1x1x256x64xbf16> to vector<256x64xbf16>
    %swap3A_19 = vector.shape_cast %slice3A_12 : vector<256x64xbf16> to vector<1x1x256x64xbf16>
    tpu.vector_store %arg4[%swap3A_13, %swap3A_14, %swap3A_15, %swap3A_16], %swap3A_19 {strides = array<i32>} : memref<8x1x256x64xbf16, #tpu.memory_space<vmem>>, vector<1x1x256x64xbf16>,
    %slice3A_20 = vector.extract_strided_slice %convert_element_type3A {offsets = [0, 128], sizes = [256, 64], strides = [1, 1]} : vector<256x512xbf16> to vector<256x64xbf16>
    %swap3A_21 = arith.constant 2 : index
    %swap3A_22 = arith.constant 0 : index
    %swap3A_23 = arith.constant 0 : index
    %swap3A_24 = arith.constant 0 : index
    %swap3A_25 = vector.load %arg4[%swap3A_21, %swap3A_22, %swap3A_23, %swap3A_24] : memref<8x1x256x64xbf16, #tpu.memory_space<vmem>>, vector<1x1x256x64xbf16>
    %swap3A_26 = vector.shape_cast %swap3A_25 : vector<1x1x256x64xbf16> to vector<256x64xbf16>
    %swap3A_27 = vector.shape_cast %slice3A_20 : vector<256x64xbf16> to vector<1x1x256x64xbf16>
    tpu.vector_store %arg4[%swap3A_21, %swap3A_22, %swap3A_23, %swap3A_24], %swap3A_27 {strides = array<i32>} : memref<8x1x256x64xbf16, #tpu.memory_space<vmem>>, vector<1x1x256x64xbf16>,
    %slice3A_28 = vector.extract_strided_slice %convert_element_type3A {offsets = [0, 192], sizes = [256, 64], strides = [1, 1]} : vector<256x512xbf16> to vector<256x64xbf16>
    %swap3A_29 = arith.constant 3 : index
    %swap3A_30 = arith.constant 0 : index
    %swap3A_31 = arith.constant 0 : index
    %swap3A_32 = arith.constant 0 : index
    %swap3A_33 = vector.load %arg4[%swap3A_29, %swap3A_30, %swap3A_31, %swap3A_32] : memref<8x1x256x64xbf16, #tpu.memory_space<vmem>>, vector<1x1x256x64xbf16>
    %swap3A_34 = vector.shape_cast %swap3A_33 : vector<1x1x256x64xbf16> to vector<256x64xbf16>
    %swap3A_35 = vector.shape_cast %slice3A_28 : vector<256x64xbf16> to vector<1x1x256x64xbf16>
    tpu.vector_store %arg4[%swap3A_29, %swap3A_30, %swap3A_31, %swap3A_32], %swap3A_35 {strides = array<i32>} : memref<8x1x256x64xbf16, #tpu.memory_space<vmem>>, vector<1x1x256x64xbf16>,
    %slice3A_36 = vector.extract_strided_slice %convert_element_type3A {offsets = [0, 256], sizes = [256, 64], strides = [1, 1]} : vector<256x512xbf16> to vector<256x64xbf16>
    %swap3A_37 = arith.constant 4 : index
    %swap3A_38 = arith.constant 0 : index
    %swap3A_39 = arith.constant 0 : index
    %swap3A_40 = arith.constant 0 : index
    %swap3A_41 = vector.load %arg4[%swap3A_37, %swap3A_38, %swap3A_39, %swap3A_40] : memref<8x1x256x64xbf16, #tpu.memory_space<vmem>>, vector<1x1x256x64xbf16>
    %swap3A_42 = vector.shape_cast %swap3A_41 : vector<1x1x256x64xbf16> to vector<256x64xbf16>
    %swap3A_43 = vector.shape_cast %slice3A_36 : vector<256x64xbf16> to vector<1x1x256x64xbf16>
    tpu.vector_store %arg4[%swap3A_37, %swap3A_38, %swap3A_39, %swap3A_40], %swap3A_43 {strides = array<i32>} : memref<8x1x256x64xbf16, #tpu.memory_space<vmem>>, vector<1x1x256x64xbf16>,
    %slice3A_44 = vector.extract_strided_slice %convert_element_type3A {offsets = [0, 320], sizes = [256, 64], strides = [1, 1]} : vector<256x512xbf16> to vector<256x64xbf16>
    %swap3A_45 = arith.constant 5 : index
    %swap3A_46 = arith.constant 0 : index
    %swap3A_47 = arith.constant 0 : index
    %swap3A_48 = arith.constant 0 : index
    %swap3A_49 = vector.load %arg4[%swap3A_45, %swap3A_46, %swap3A_47, %swap3A_48] : memref<8x1x256x64xbf16, #tpu.memory_space<vmem>>, vector<1x1x256x64xbf16>
    %swap3A_50 = vector.shape_cast %swap3A_49 : vector<1x1x256x64xbf16> to vector<256x64xbf16>
    %swap3A_51 = vector.shape_cast %slice3A_44 : vector<256x64xbf16> to vector<1x1x256x64xbf16>
    tpu.vector_store %arg4[%swap3A_45, %swap3A_46, %swap3A_47, %swap3A_48], %swap3A_51 {strides = array<i32>} : memref<8x1x256x64xbf16, #tpu.memory_space<vmem>>, vector<1x1x256x64xbf16>,
    %slice3A_52 = vector.extract_strided_slice %convert_element_type3A {offsets = [0, 384], sizes = [256, 64], strides = [1, 1]} : vector<256x512xbf16> to vector<256x64xbf16>
    %swap3A_53 = arith.constant 6 : index
    %swap3A_54 = arith.constant 0 : index
    %swap3A_55 = arith.constant 0 : index
    %swap3A_56 = arith.constant 0 : index
    %swap3A_57 = vector.load %arg4[%swap3A_53, %swap3A_54, %swap3A_55, %swap3A_56] : memref<8x1x256x64xbf16, #tpu.memory_space<vmem>>, vector<1x1x256x64xbf16>
    %swap3A_58 = vector.shape_cast %swap3A_57 : vector<1x1x256x64xbf16> to vector<256x64xbf16>
    %swap3A_59 = vector.shape_cast %slice3A_52 : vector<256x64xbf16> to vector<1x1x256x64xbf16>
    tpu.vector_store %arg4[%swap3A_53, %swap3A_54, %swap3A_55, %swap3A_56], %swap3A_59 {strides = array<i32>} : memref<8x1x256x64xbf16, #tpu.memory_space<vmem>>, vector<1x1x256x64xbf16>,
    %slice3A_60 = vector.extract_strided_slice %convert_element_type3A {offsets = [0, 448], sizes = [256, 64], strides = [1, 1]} : vector<256x512xbf16> to vector<256x64xbf16>
    %swap3A_61 = arith.constant 7 : index
    %swap3A_62 = arith.constant 0 : index
    %swap3A_63 = arith.constant 0 : index
    %swap3A_64 = arith.constant 0 : index
    %swap3A_65 = vector.load %arg4[%swap3A_61, %swap3A_62, %swap3A_63, %swap3A_64] : memref<8x1x256x64xbf16, #tpu.memory_space<vmem>>, vector<1x1x256x64xbf16>
    %swap3A_66 = vector.shape_cast %swap3A_65 : vector<1x1x256x64xbf16> to vector<256x64xbf16>
    %swap3A_67 = vector.shape_cast %slice3A_60 : vector<256x64xbf16> to vector<1x1x256x64xbf16>
    tpu.vector_store %arg4[%swap3A_61, %swap3A_62, %swap3A_63, %swap3A_64], %swap3A_67 {strides = array<i32>} : memref<8x1x256x64xbf16, #tpu.memory_space<vmem>>, vector<1x1x256x64xbf16>,
    return
  }
  func.func @transform_0(%arg0: i32, %arg1: i32) -> (i32, i32) {
    %c0_i32 = arith.constant 0 : i32
    %c0_i32_0 = arith.constant 0 : i32
    return %arg0, %c0_i32 : i32, i32
  }
  func.func @transform_1(%arg0: i32, %arg1: i32) -> (i32, i32) {
    %c0_i32 = arith.constant 0 : i32
    %c0_i32_0 = arith.constant 0 : i32
    return %c0_i32, %arg1 : i32, i32
  }
  func.func @transform_2(%arg0: i32, %arg1: i32) -> (i32, i32, i32, i32) {
    %jit3A = arith.constant 8 : i32
    %div3A = arith.divsi %arg0, %jit3A : i32
    %sign3A = arith.constant 0 : i32
    %sign3A_0 = arith.cmpi sgt, %arg0, %sign3A : i32
    %sign3A_1 = arith.extui %sign3A_0 : i1 to i32
    %sign3A_2 = arith.constant 0 : i32
    %sign3A_3 = arith.cmpi slt, %arg0, %sign3A_2 : i32
    %sign3A_4 = arith.extui %sign3A_3 : i1 to i32
    %sign3A_5 = arith.subi %sign3A_1, %sign3A_4 : i32
    %sign3A_6 = arith.constant 0 : i32
    %sign3A_7 = arith.cmpi sgt, %jit3A, %sign3A_6 : i32
    %sign3A_8 = arith.extui %sign3A_7 : i1 to i32
    %sign3A_9 = arith.constant 0 : i32
    %sign3A_10 = arith.cmpi slt, %jit3A, %sign3A_9 : i32
    %sign3A_11 = arith.extui %sign3A_10 : i1 to i32
    %sign3A_12 = arith.subi %sign3A_8, %sign3A_11 : i32
    %ne3A = arith.cmpi ne, %sign3A_5, %sign3A_12 : i32
    %rem3A = arith.remsi %arg0, %jit3A : i32
    %ne3A_13 = arith.constant 0 : i32
    %ne3A_14 = arith.cmpi ne, %rem3A, %ne3A_13 : i32
    %and3A = arith.andi %ne3A, %ne3A_14 : i1
    %sub3A = arith.constant 1 : i32
    %sub3A_15 = arith.subi %div3A, %sub3A : i32
    %select_n3A = arith.select %and3A, %sub3A_15, %div3A : i32
    %jit3A_16 = arith.constant 8 : i32
    %eq3A = arith.constant 0 : i32
    %eq3A_17 = arith.cmpi eq, %jit3A_16, %eq3A : i32
    %jit3A_18 = arith.constant 1 : i32
    %select_n3A_19 = arith.select %eq3A_17, %jit3A_18, %jit3A_16 : i32
    %rem3A_20 = arith.remsi %arg0, %select_n3A_19 : i32
    %ne3A_21 = arith.constant 0 : i32
    %ne3A_22 = arith.cmpi ne, %rem3A_20, %ne3A_21 : i32
    %lt3A = arith.constant 0 : i32
    %lt3A_23 = arith.cmpi slt, %rem3A_20, %lt3A : i32
    %lt3A_24 = arith.constant 0 : i32
    %lt3A_25 = arith.cmpi slt, %select_n3A_19, %lt3A_24 : i32
    %ne3A_26 = arith.xori %lt3A_23, %lt3A_25 : i1
    %and3A_27 = arith.andi %ne3A_26, %ne3A_22 : i1
    %add3A = arith.addi %rem3A_20, %select_n3A_19 : i32
    %select_n3A_28 = arith.select %and3A_27, %add3A, %rem3A_20 : i32
    %c0_i32 = arith.constant 0 : i32
    %c0_i32_29 = arith.constant 0 : i32
    return %arg1, %select_n3A, %select_n3A_28, %c0_i32 : i32, i32, i32, i32
  }
}

module attributes {stable_mosaic.version = 14 : i64} {
  func.func @_importance_kernel(%arg0: i32, %arg1: i32, %arg2: i32, %arg3: memref<1x1x256x64xbf16, #tpu.memory_space<vmem>>, %arg4: memref<1x1x2048x64xbf16, #tpu.memory_space<vmem>>, %arg5: memref<1x1x2048xf32, #tpu.memory_space<vmem>>, %arg6: memref<1x1x128xf32, #tpu.memory_space<vmem>>, %arg7: memref<1x2048xf32, #tpu.memory_space<vmem>>) attributes {dimension_semantics = [#tpu.dimension_semantics<arbitrary>, #tpu.dimension_semantics<arbitrary>, #tpu.dimension_semantics<arbitrary>], iteration_bounds = array<i64: 2, 16, 8>, scalar_prefetch = 0 : i64, scratch_operands = 1 : i64, tpu.core_type = #tpu.core_type<tc>, window_params = [{transform_indices = @transform_0, window_bounds = array<i64: 1, 1, 256, 64>}, {transform_indices = @transform_1, window_bounds = array<i64: 1, 1, 2048, 64>}, {transform_indices = @transform_2, window_bounds = array<i64: 1, 1, 2048>}, {transform_indices = @transform_3, window_bounds = array<i64: 1, 1, 128>}]} {
    %eq3A = arith.constant 0 : i32
    %eq3A_0 = arith.cmpi eq, %arg2, %eq3A : i32
    %convert_element_type3A = arith.extui %eq3A_0 : i1 to i32
    %cond3A = arith.constant 0 : i32
    %cond3A_1 = arith.cmpi ne, %convert_element_type3A, %cond3A : i32
    scf.if %cond3A_1 {
      %broadcast_in_dim3A_40 = arith.constant 0.000000e+00 : f32
      %broadcast_in_dim3A_41 = vector.broadcast %broadcast_in_dim3A_40 : f32 to vector<1x2048xf32>
      %swap3A_42 = arith.constant 0 : index
      %swap3A_43 = arith.constant 0 : index
      %swap3A_44 = vector.load %arg7[%swap3A_42, %swap3A_43] : memref<1x2048xf32, #tpu.memory_space<vmem>>, vector<1x2048xf32>
      tpu.vector_store %arg7[%swap3A_42, %swap3A_43], %broadcast_in_dim3A_41 {strides = array<i32>} : memref<1x2048xf32, #tpu.memory_space<vmem>>, vector<1x2048xf32>,
    } else {
    }
    %get3A = arith.constant 0 : index
    %get3A_2 = arith.constant 0 : index
    %get3A_3 = arith.constant 0 : index
    %get3A_4 = arith.constant 0 : index
    %get3A_5 = vector.load %arg3[%get3A, %get3A_2, %get3A_3, %get3A_4] : memref<1x1x256x64xbf16, #tpu.memory_space<vmem>>, vector<1x1x256x64xbf16>
    %get3A_6 = vector.shape_cast %get3A_5 : vector<1x1x256x64xbf16> to vector<256x64xbf16>
    %get3A_7 = arith.constant 0 : index
    %get3A_8 = arith.constant 0 : index
    %get3A_9 = arith.constant 0 : index
    %get3A_10 = arith.constant 0 : index
    %get3A_11 = vector.load %arg4[%get3A_7, %get3A_8, %get3A_9, %get3A_10] : memref<1x1x2048x64xbf16, #tpu.memory_space<vmem>>, vector<1x1x2048x64xbf16>
    %get3A_12 = vector.shape_cast %get3A_11 : vector<1x1x2048x64xbf16> to vector<2048x64xbf16>
    %dot_general3A = arith.constant dense<0.000000e+00> : vector<256x2048xf32>
    %dot_general3A_13 = tpu.matmul %get3A_6, %get3A_12, %dot_general3A {dimension_numbers = #tpu.dot_dimension_numbers<[1], [1], [0], [0], [0, 0, 1, 0], [], []>, transpose_lhs_hint = false} : vector<256x64xbf16>, vector<2048x64xbf16>, vector<256x2048xf32> -> vector<256x2048xf32>
    %mul3A = arith.constant 1.250000e-01 : f32
    %mul3A_14 = vector.broadcast %mul3A : f32 to vector<256x2048xf32>
    %mul3A_15 = arith.mulf %dot_general3A_13, %mul3A_14 : vector<256x2048xf32>
    %mul3A_16 = arith.constant 256 : i32
    %mul3A_17 = arith.muli %arg2, %mul3A_16 : i32
    %iota3A = tpu.iota {dimensions = array<i32: 0>} : vector<256x2048xi32>
    %add3A = vector.broadcast %mul3A_17 : i32 to vector<256x2048xi32>
    %add3A_18 = arith.addi %add3A, %iota3A : vector<256x2048xi32>
    %iota3A_19 = tpu.iota {dimensions = array<i32: 1>} : vector<256x2048xi32>
    %le3A = arith.cmpi sle, %iota3A_19, %add3A_18 : vector<256x2048xi32>
    %jit3A = arith.constant 0xFF800000 : f32
    %broadcast_in_dim3A = vector.broadcast %jit3A : f32 to vector<256x2048xf32>
    %select_n3A = arith.select %le3A, %mul3A_15, %broadcast_in_dim3A : vector<256x2048xi1>, vector<256x2048xf32>
    %reduce_max3A = arith.constant dense<0xFF800000> : vector<256xf32>
    %reduce_max3A_20 = vector.multi_reduction <maximumf>, %select_n3A, %reduce_max3A [1] : vector<256x2048xf32> to vector<256xf32>
    %broadcast_in_dim3A_21 = vector.shape_cast %reduce_max3A_20 : vector<256xf32> to vector<256x1xf32>
    %sub3A = vector.broadcast %broadcast_in_dim3A_21 : vector<256x1xf32> to vector<256x2048xf32>
    %sub3A_22 = arith.subf %select_n3A, %sub3A : vector<256x2048xf32>
    %exp3A = math.exp %sub3A_22 : vector<256x2048xf32>
    %reduce_sum3A = arith.constant dense<0.000000e+00> : vector<256xf32>
    %reduce_sum3A_23 = vector.multi_reduction <add>, %exp3A, %reduce_sum3A [1] : vector<256x2048xf32> to vector<256xf32>
    %broadcast_in_dim3A_24 = vector.shape_cast %reduce_sum3A_23 : vector<256xf32> to vector<256x1xf32>
    %get3A_25 = arith.constant 0 : index
    %get3A_26 = arith.constant 0 : index
    %get3A_27 = vector.load %arg7[%get3A_25, %get3A_26] : memref<1x2048xf32, #tpu.memory_space<vmem>>, vector<1x2048xf32>
    %div3A = vector.broadcast %broadcast_in_dim3A_24 : vector<256x1xf32> to vector<256x2048xf32>
    %div3A_28 = arith.divf %exp3A, %div3A : vector<256x2048xf32>
    %reduce_sum3A_29 = arith.constant dense<0.000000e+00> : vector<2048xf32>
    %reduce_sum3A_30 = vector.multi_reduction <add>, %div3A_28, %reduce_sum3A_29 [0] : vector<256x2048xf32> to vector<2048xf32>
    %broadcast_in_dim3A_31 = vector.shape_cast %reduce_sum3A_30 : vector<2048xf32> to vector<1x2048xf32>
    %add3A_32 = arith.addf %get3A_27, %broadcast_in_dim3A_31 : vector<1x2048xf32>
    %swap3A = arith.constant 0 : index
    %swap3A_33 = arith.constant 0 : index
    %swap3A_34 = vector.load %arg7[%swap3A, %swap3A_33] : memref<1x2048xf32, #tpu.memory_space<vmem>>, vector<1x2048xf32>
    tpu.vector_store %arg7[%swap3A, %swap3A_33], %add3A_32 {strides = array<i32>} : memref<1x2048xf32, #tpu.memory_space<vmem>>, vector<1x2048xf32>,
    %eq3A_35 = arith.constant 7 : i32
    %eq3A_36 = arith.cmpi eq, %arg2, %eq3A_35 : i32
    %convert_element_type3A_37 = arith.extui %eq3A_36 : i1 to i32
    %cond3A_38 = arith.constant 0 : i32
    %cond3A_39 = arith.cmpi ne, %convert_element_type3A_37, %cond3A_38 : i32
    scf.if %cond3A_39 {
      %get3A_40 = arith.constant 0 : index
      %get3A_41 = arith.constant 0 : index
      %get3A_42 = vector.load %arg7[%get3A_40, %get3A_41] : memref<1x2048xf32, #tpu.memory_space<vmem>>, vector<1x2048xf32>
      %mul3A_43 = arith.constant 4.8828125E-4 : f32
      %mul3A_44 = vector.broadcast %mul3A_43 : f32 to vector<1x2048xf32>
      %mul3A_45 = arith.mulf %get3A_42, %mul3A_44 : vector<1x2048xf32>
      %iota3A_46 = tpu.iota {dimensions = array<i32: 1>} : vector<1x2048xi32>
      %ge3A = arith.constant 1984 : i32
      %ge3A_47 = vector.broadcast %ge3A : i32 to vector<1x2048xi32>
      %ge3A_48 = arith.cmpi sge, %iota3A_46, %ge3A_47 : vector<1x2048xi32>
      %jit3A_49 = arith.constant 1.000000e+00 : f32
      %broadcast_in_dim3A_50 = vector.broadcast %jit3A_49 : f32 to vector<1x2048xf32>
      %select_n3A_51 = arith.select %ge3A_48, %broadcast_in_dim3A_50, %mul3A_45 : vector<1x2048xi1>, vector<1x2048xf32>
      %swap3A_52 = arith.constant 0 : index
      %swap3A_53 = arith.constant 0 : index
      %swap3A_54 = arith.constant 0 : index
      %swap3A_55 = vector.load %arg5[%swap3A_52, %swap3A_53, %swap3A_54] : memref<1x1x2048xf32, #tpu.memory_space<vmem>>, vector<1x1x2048xf32>
      %swap3A_56 = vector.shape_cast %swap3A_55 : vector<1x1x2048xf32> to vector<1x2048xf32>
      %swap3A_57 = vector.shape_cast %select_n3A_51 : vector<1x2048xf32> to vector<1x1x2048xf32>
      tpu.vector_store %arg5[%swap3A_52, %swap3A_53, %swap3A_54], %swap3A_57 {strides = array<i32>} : memref<1x1x2048xf32, #tpu.memory_space<vmem>>, vector<1x1x2048xf32>,
      %bitcast_convert_type3A = tpu.bitcast %select_n3A_51 : vector<1x2048xf32> -> vector<1x2048xi32>
      %scan3A = arith.constant 0 : i32
      %scan3A_58 = arith.constant 0 : i32
      %scan3A_59 = arith.constant 31 : i32
      %scan3A_60 = arith.addi %scan3A_58, %scan3A_59 : i32
      %scan3A_61 = arith.constant 1 : i32
      %scan3A_62 = scf.for %scan3A_72 = %scan3A_58 to %scan3A_60 step %scan3A_61 iter_args(%scan3A_73 = %scan3A) -> (i32)  : i32 {
        %sub3A_74 = arith.constant 30 : i32
        %sub3A_75 = arith.subi %sub3A_74, %scan3A_72 : i32
        %shift_left3A = arith.constant 1 : i32
        %shift_left3A_76 = arith.shli %shift_left3A, %sub3A_75 : i32
        %or3A = arith.ori %scan3A_73, %shift_left3A_76 : i32
        %ge3A_77 = vector.broadcast %or3A : i32 to vector<1x2048xi32>
        %ge3A_78 = arith.cmpi sge, %bitcast_convert_type3A, %ge3A_77 : vector<1x2048xi32>
        %convert_element_type3A_79 = arith.extui %ge3A_78 : vector<1x2048xi1> to vector<1x2048xi32>
        %reduce_sum3A_80 = vector.shape_cast %convert_element_type3A_79 : vector<1x2048xi32> to vector<1x1x2048xi32>
        %reduce_sum3A_81 = arith.constant dense<0> : vector<1xi32>
        %reduce_sum3A_82 = vector.multi_reduction <add>, %reduce_sum3A_80, %reduce_sum3A_81 [1, 2] : vector<1x1x2048xi32> to vector<1xi32>
        %reduce_sum3A_83 = vector.shape_cast %reduce_sum3A_82 : vector<1xi32> to vector<1x1x1xi32>
        %reduce_sum3A_84 = vector.extract %reduce_sum3A_83[0, 0, 0] : i32 from vector<1x1x1xi32>
        %ge3A_85 = arith.constant 512 : i32
        %ge3A_86 = arith.cmpi sge, %reduce_sum3A_84, %ge3A_85 : i32
        %select_n3A_87 = arith.select %ge3A_86, %or3A, %scan3A_73 : i32
        scf.yield %select_n3A_87 : i32
      }
      %scan3A_63 = arith.constant 31 : i32
      %bitcast_convert_type3A_64 = arith.bitcast %scan3A_62 : i32 to f32
      %broadcast_in_dim3A_65 = vector.broadcast %bitcast_convert_type3A_64 : f32 to vector<1x128xf32>
      %swap3A_66 = arith.constant 0 : index
      %swap3A_67 = arith.constant 0 : index
      %swap3A_68 = arith.constant 0 : index
      %swap3A_69 = vector.load %arg6[%swap3A_66, %swap3A_67, %swap3A_68] : memref<1x1x128xf32, #tpu.memory_space<vmem>>, vector<1x1x128xf32>
      %swap3A_70 = vector.shape_cast %swap3A_69 : vector<1x1x128xf32> to vector<1x128xf32>
      %swap3A_71 = vector.shape_cast %broadcast_in_dim3A_65 : vector<1x128xf32> to vector<1x1x128xf32>
      tpu.vector_store %arg6[%swap3A_66, %swap3A_67, %swap3A_68], %swap3A_71 {strides = array<i32>} : memref<1x1x128xf32, #tpu.memory_space<vmem>>, vector<1x1x128xf32>,
    } else {
    }
    return
  }
  func.func @transform_0(%arg0: i32, %arg1: i32, %arg2: i32) -> (i32, i32, i32, i32) {
    %c0_i32 = arith.constant 0 : i32
    %c0_i32_0 = arith.constant 0 : i32
    return %arg1, %arg0, %arg2, %c0_i32 : i32, i32, i32, i32
  }
  func.func @transform_1(%arg0: i32, %arg1: i32, %arg2: i32) -> (i32, i32, i32, i32) {
    %add3A = arith.constant 16 : i32
    %add3A_0 = arith.addi %arg1, %add3A : i32
    %c0_i32 = arith.constant 0 : i32
    %c0_i32_1 = arith.constant 0 : i32
    %c0_i32_2 = arith.constant 0 : i32
    return %add3A_0, %arg0, %c0_i32, %c0_i32_1 : i32, i32, i32, i32
  }
  func.func @transform_2(%arg0: i32, %arg1: i32, %arg2: i32) -> (i32, i32, i32) {
    %mul3A = arith.constant 16 : i32
    %mul3A_0 = arith.muli %arg0, %mul3A : i32
    %add3A = arith.addi %mul3A_0, %arg1 : i32
    %c0_i32 = arith.constant 0 : i32
    %c0_i32_1 = arith.constant 0 : i32
    %c0_i32_2 = arith.constant 0 : i32
    return %add3A, %c0_i32, %c0_i32_1 : i32, i32, i32
  }
  func.func @transform_3(%arg0: i32, %arg1: i32, %arg2: i32) -> (i32, i32, i32) {
    %mul3A = arith.constant 16 : i32
    %mul3A_0 = arith.muli %arg0, %mul3A : i32
    %add3A = arith.addi %mul3A_0, %arg1 : i32
    %c0_i32 = arith.constant 0 : i32
    %c0_i32_1 = arith.constant 0 : i32
    %c0_i32_2 = arith.constant 0 : i32
    return %add3A, %c0_i32, %c0_i32_1 : i32, i32, i32
  }
}

module attributes {stable_mosaic.version = 14 : i64} {
  func.func @_pruned_attn_kernel(%arg0: i32, %arg1: i32, %arg2: i32, %arg3: memref<1x1x256x64xbf16, #tpu.memory_space<vmem>>, %arg4: memref<1x512x64xbf16, #tpu.memory_space<vmem>>, %arg5: memref<1x512x64xbf16, #tpu.memory_space<vmem>>, %arg6: memref<1x1x256x64xbf16, #tpu.memory_space<vmem>>) attributes {dimension_semantics = [#tpu.dimension_semantics<arbitrary>, #tpu.dimension_semantics<arbitrary>, #tpu.dimension_semantics<arbitrary>], iteration_bounds = array<i64: 2, 16, 8>, scalar_prefetch = 0 : i64, scratch_operands = 0 : i64, tpu.core_type = #tpu.core_type<tc>, window_params = [{transform_indices = @transform_0, window_bounds = array<i64: 1, 1, 256, 64>}, {transform_indices = @transform_1, window_bounds = array<i64: 1, 512, 64>}, {transform_indices = @transform_2, window_bounds = array<i64: 1, 512, 64>}, {transform_indices = @transform_3, window_bounds = array<i64: 1, 1, 256, 64>}]} {
    %get3A = arith.constant 0 : index
    %get3A_0 = arith.constant 0 : index
    %get3A_1 = arith.constant 0 : index
    %get3A_2 = arith.constant 0 : index
    %get3A_3 = vector.load %arg3[%get3A, %get3A_0, %get3A_1, %get3A_2] : memref<1x1x256x64xbf16, #tpu.memory_space<vmem>>, vector<1x1x256x64xbf16>
    %get3A_4 = vector.shape_cast %get3A_3 : vector<1x1x256x64xbf16> to vector<256x64xbf16>
    %get3A_5 = arith.constant 0 : index
    %get3A_6 = arith.constant 0 : index
    %get3A_7 = arith.constant 0 : index
    %get3A_8 = vector.load %arg4[%get3A_5, %get3A_6, %get3A_7] : memref<1x512x64xbf16, #tpu.memory_space<vmem>>, vector<1x512x64xbf16>
    %get3A_9 = vector.shape_cast %get3A_8 : vector<1x512x64xbf16> to vector<512x64xbf16>
    %get3A_10 = arith.constant 0 : index
    %get3A_11 = arith.constant 0 : index
    %get3A_12 = arith.constant 0 : index
    %get3A_13 = vector.load %arg5[%get3A_10, %get3A_11, %get3A_12] : memref<1x512x64xbf16, #tpu.memory_space<vmem>>, vector<1x512x64xbf16>
    %get3A_14 = vector.shape_cast %get3A_13 : vector<1x512x64xbf16> to vector<512x64xbf16>
    %dot_general3A = arith.constant dense<0.000000e+00> : vector<256x512xf32>
    %dot_general3A_15 = tpu.matmul %get3A_4, %get3A_9, %dot_general3A {dimension_numbers = #tpu.dot_dimension_numbers<[1], [1], [0], [0], [0, 0, 1, 0], [], []>, transpose_lhs_hint = false} : vector<256x64xbf16>, vector<512x64xbf16>, vector<256x512xf32> -> vector<256x512xf32>
    %mul3A = arith.constant 1.250000e-01 : f32
    %mul3A_16 = vector.broadcast %mul3A : f32 to vector<256x512xf32>
    %mul3A_17 = arith.mulf %dot_general3A_15, %mul3A_16 : vector<256x512xf32>
    %reduce_max3A = arith.constant dense<0xFF800000> : vector<256xf32>
    %reduce_max3A_18 = vector.multi_reduction <maximumf>, %mul3A_17, %reduce_max3A [1] : vector<256x512xf32> to vector<256xf32>
    %broadcast_in_dim3A = vector.shape_cast %reduce_max3A_18 : vector<256xf32> to vector<256x1xf32>
    %sub3A = vector.broadcast %broadcast_in_dim3A : vector<256x1xf32> to vector<256x512xf32>
    %sub3A_19 = arith.subf %mul3A_17, %sub3A : vector<256x512xf32>
    %exp3A = math.exp %sub3A_19 : vector<256x512xf32>
    %reduce_sum3A = arith.constant dense<0.000000e+00> : vector<256xf32>
    %reduce_sum3A_20 = vector.multi_reduction <add>, %exp3A, %reduce_sum3A [1] : vector<256x512xf32> to vector<256xf32>
    %broadcast_in_dim3A_21 = vector.shape_cast %reduce_sum3A_20 : vector<256xf32> to vector<256x1xf32>
    %convert_element_type3A = arith.truncf %exp3A : vector<256x512xf32> to vector<256x512xbf16>
    %dot_general3A_22 = arith.constant dense<0.000000e+00> : vector<256x64xf32>
    %dot_general3A_23 = tpu.matmul %convert_element_type3A, %get3A_14, %dot_general3A_22 {dimension_numbers = #tpu.dot_dimension_numbers<[1], [0], [0], [1], [0, 0, 1, 1], [], []>, transpose_lhs_hint = false} : vector<256x512xbf16>, vector<512x64xbf16>, vector<256x64xf32> -> vector<256x64xf32>
    %div3A = vector.broadcast %broadcast_in_dim3A_21 : vector<256x1xf32> to vector<256x64xf32>
    %div3A_24 = arith.divf %dot_general3A_23, %div3A : vector<256x64xf32>
    %convert_element_type3A_25 = arith.truncf %div3A_24 : vector<256x64xf32> to vector<256x64xbf16>
    %swap3A = arith.constant 0 : index
    %swap3A_26 = arith.constant 0 : index
    %swap3A_27 = arith.constant 0 : index
    %swap3A_28 = arith.constant 0 : index
    %swap3A_29 = vector.load %arg6[%swap3A, %swap3A_26, %swap3A_27, %swap3A_28] : memref<1x1x256x64xbf16, #tpu.memory_space<vmem>>, vector<1x1x256x64xbf16>
    %swap3A_30 = vector.shape_cast %swap3A_29 : vector<1x1x256x64xbf16> to vector<256x64xbf16>
    %swap3A_31 = vector.shape_cast %convert_element_type3A_25 : vector<256x64xbf16> to vector<1x1x256x64xbf16>
    tpu.vector_store %arg6[%swap3A, %swap3A_26, %swap3A_27, %swap3A_28], %swap3A_31 {strides = array<i32>} : memref<1x1x256x64xbf16, #tpu.memory_space<vmem>>, vector<1x1x256x64xbf16>,
    return
  }
  func.func @transform_0(%arg0: i32, %arg1: i32, %arg2: i32) -> (i32, i32, i32, i32) {
    %c0_i32 = arith.constant 0 : i32
    %c0_i32_0 = arith.constant 0 : i32
    return %arg1, %arg0, %arg2, %c0_i32 : i32, i32, i32, i32
  }
  func.func @transform_1(%arg0: i32, %arg1: i32, %arg2: i32) -> (i32, i32, i32) {
    %mul3A = arith.constant 16 : i32
    %mul3A_0 = arith.muli %arg0, %mul3A : i32
    %add3A = arith.addi %mul3A_0, %arg1 : i32
    %c0_i32 = arith.constant 0 : i32
    %c0_i32_1 = arith.constant 0 : i32
    %c0_i32_2 = arith.constant 0 : i32
    return %add3A, %c0_i32, %c0_i32_1 : i32, i32, i32
  }
  func.func @transform_2(%arg0: i32, %arg1: i32, %arg2: i32) -> (i32, i32, i32) {
    %mul3A = arith.constant 16 : i32
    %mul3A_0 = arith.muli %arg0, %mul3A : i32
    %add3A = arith.addi %mul3A_0, %arg1 : i32
    %c0_i32 = arith.constant 0 : i32
    %c0_i32_1 = arith.constant 0 : i32
    %c0_i32_2 = arith.constant 0 : i32
    return %add3A, %c0_i32, %c0_i32_1 : i32, i32, i32
  }
  func.func @transform_3(%arg0: i32, %arg1: i32, %arg2: i32) -> (i32, i32, i32, i32) {
    %c0_i32 = arith.constant 0 : i32
    %c0_i32_0 = arith.constant 0 : i32
    return %arg1, %arg0, %arg2, %c0_i32 : i32, i32, i32, i32
  }
}

module attributes {stable_mosaic.version = 14 : i64} {
  func.func @_proj_kernel(%arg0: i32, %arg1: i32, %arg2: i32, %arg3: memref<1x1x256x64xbf16, #tpu.memory_space<vmem>>, %arg4: memref<1x64x1024xbf16, #tpu.memory_space<vmem>>, %arg5: memref<1x256x1024xf32, #tpu.memory_space<vmem>>, %arg6: memref<256x1024xf32, #tpu.memory_space<vmem>>) attributes {dimension_semantics = [#tpu.dimension_semantics<arbitrary>, #tpu.dimension_semantics<arbitrary>, #tpu.dimension_semantics<arbitrary>], iteration_bounds = array<i64: 2, 8, 16>, scalar_prefetch = 0 : i64, scratch_operands = 1 : i64, tpu.core_type = #tpu.core_type<tc>, window_params = [{transform_indices = @transform_0, window_bounds = array<i64: 1, 1, 256, 64>}, {transform_indices = @transform_1, window_bounds = array<i64: 1, 64, 1024>}, {transform_indices = @transform_2, window_bounds = array<i64: 1, 256, 1024>}]} {
    %eq3A = arith.constant 0 : i32
    %eq3A_0 = arith.cmpi eq, %arg2, %eq3A : i32
    %convert_element_type3A = arith.extui %eq3A_0 : i1 to i32
    %cond3A = arith.constant 0 : i32
    %cond3A_1 = arith.cmpi ne, %convert_element_type3A, %cond3A : i32
    scf.if %cond3A_1 {
      %broadcast_in_dim3A = arith.constant 0.000000e+00 : f32
      %broadcast_in_dim3A_23 = vector.broadcast %broadcast_in_dim3A : f32 to vector<256x1024xf32>
      %swap3A_24 = arith.constant 0 : index
      %swap3A_25 = arith.constant 0 : index
      %swap3A_26 = vector.load %arg6[%swap3A_24, %swap3A_25] : memref<256x1024xf32, #tpu.memory_space<vmem>>, vector<256x1024xf32>
      tpu.vector_store %arg6[%swap3A_24, %swap3A_25], %broadcast_in_dim3A_23 {strides = array<i32>} : memref<256x1024xf32, #tpu.memory_space<vmem>>, vector<256x1024xf32>,
    } else {
    }
    %get3A = arith.constant 0 : index
    %get3A_2 = arith.constant 0 : index
    %get3A_3 = vector.load %arg6[%get3A, %get3A_2] : memref<256x1024xf32, #tpu.memory_space<vmem>>, vector<256x1024xf32>
    %get3A_4 = arith.constant 0 : index
    %get3A_5 = arith.constant 0 : index
    %get3A_6 = arith.constant 0 : index
    %get3A_7 = arith.constant 0 : index
    %get3A_8 = vector.load %arg3[%get3A_4, %get3A_5, %get3A_6, %get3A_7] : memref<1x1x256x64xbf16, #tpu.memory_space<vmem>>, vector<1x1x256x64xbf16>
    %get3A_9 = vector.shape_cast %get3A_8 : vector<1x1x256x64xbf16> to vector<256x64xbf16>
    %get3A_10 = arith.constant 0 : index
    %get3A_11 = arith.constant 0 : index
    %get3A_12 = arith.constant 0 : index
    %get3A_13 = vector.load %arg4[%get3A_10, %get3A_11, %get3A_12] : memref<1x64x1024xbf16, #tpu.memory_space<vmem>>, vector<1x64x1024xbf16>
    %get3A_14 = vector.shape_cast %get3A_13 : vector<1x64x1024xbf16> to vector<64x1024xbf16>
    %dot_general3A = arith.constant dense<0.000000e+00> : vector<256x1024xf32>
    %dot_general3A_15 = tpu.matmul %get3A_9, %get3A_14, %dot_general3A {dimension_numbers = #tpu.dot_dimension_numbers<[1], [0], [0], [1], [0, 0, 1, 1], [], []>, transpose_lhs_hint = false} : vector<256x64xbf16>, vector<64x1024xbf16>, vector<256x1024xf32> -> vector<256x1024xf32>
    %add3A = arith.addf %get3A_3, %dot_general3A_15 : vector<256x1024xf32>
    %swap3A = arith.constant 0 : index
    %swap3A_16 = arith.constant 0 : index
    %swap3A_17 = vector.load %arg6[%swap3A, %swap3A_16] : memref<256x1024xf32, #tpu.memory_space<vmem>>, vector<256x1024xf32>
    tpu.vector_store %arg6[%swap3A, %swap3A_16], %add3A {strides = array<i32>} : memref<256x1024xf32, #tpu.memory_space<vmem>>, vector<256x1024xf32>,
    %eq3A_18 = arith.constant 15 : i32
    %eq3A_19 = arith.cmpi eq, %arg2, %eq3A_18 : i32
    %convert_element_type3A_20 = arith.extui %eq3A_19 : i1 to i32
    %cond3A_21 = arith.constant 0 : i32
    %cond3A_22 = arith.cmpi ne, %convert_element_type3A_20, %cond3A_21 : i32
    scf.if %cond3A_22 {
      %get3A_23 = arith.constant 0 : index
      %get3A_24 = arith.constant 0 : index
      %get3A_25 = vector.load %arg6[%get3A_23, %get3A_24] : memref<256x1024xf32, #tpu.memory_space<vmem>>, vector<256x1024xf32>
      %swap3A_26 = arith.constant 0 : index
      %swap3A_27 = arith.constant 0 : index
      %swap3A_28 = arith.constant 0 : index
      %swap3A_29 = vector.load %arg5[%swap3A_26, %swap3A_27, %swap3A_28] : memref<1x256x1024xf32, #tpu.memory_space<vmem>>, vector<1x256x1024xf32>
      %swap3A_30 = vector.shape_cast %swap3A_29 : vector<1x256x1024xf32> to vector<256x1024xf32>
      %swap3A_31 = vector.shape_cast %get3A_25 : vector<256x1024xf32> to vector<1x256x1024xf32>
      tpu.vector_store %arg5[%swap3A_26, %swap3A_27, %swap3A_28], %swap3A_31 {strides = array<i32>} : memref<1x256x1024xf32, #tpu.memory_space<vmem>>, vector<1x256x1024xf32>,
    } else {
    }
    return
  }
  func.func @transform_0(%arg0: i32, %arg1: i32, %arg2: i32) -> (i32, i32, i32, i32) {
    %c0_i32 = arith.constant 0 : i32
    %c0_i32_0 = arith.constant 0 : i32
    return %arg2, %arg0, %arg1, %c0_i32 : i32, i32, i32, i32
  }
  func.func @transform_1(%arg0: i32, %arg1: i32, %arg2: i32) -> (i32, i32, i32) {
    %c0_i32 = arith.constant 0 : i32
    %c0_i32_0 = arith.constant 0 : i32
    %c0_i32_1 = arith.constant 0 : i32
    return %arg2, %c0_i32, %c0_i32_0 : i32, i32, i32
  }
  func.func @transform_2(%arg0: i32, %arg1: i32, %arg2: i32) -> (i32, i32, i32) {
    %c0_i32 = arith.constant 0 : i32
    %c0_i32_0 = arith.constant 0 : i32
    return %arg0, %arg1, %c0_i32 : i32, i32, i32
  }
}

</mosaic_0001>

<sc_bundles>
// kernel: kernel.7.cloned.1.call-start
scs
__scs_entry_jumppad:
0x0: {  	(pc) =	sbr.rel $0x88, $3  }
0x1: {  	(tag) =	ssettag $0x0;
	lr =	simm.s32 $0x1  }
0x2: {  	[smem:$0x3F9E] =	sst lr;
	_ =	strace $0xD0000000  }
0x3: {  	_ = 	snop  }
0x4: {  	_ = 	snop  }
0x5: {  	_ = 	snop  }
0x6: {  	_ = 	snop  }
0x7: {  	_ = 	snop  }
__scs_overlays_trampoline_lowered:
0x8: {  	[smem:$0x3FAD] =	sst s0  }
0x9: {  	[smem:$0x3FAE] =	sst s1  }
0xa: {  	[smem:$0x3FAF] =	sst s2  }
0xb: {  	[smem:$0x3FB0] =	sst s3  }
0xc: {  	[smem:$0x3FB1] =	sst s4  }
0xd: {  	[smem:$0x3FB2] =	sst s5  }
0xe: {  	[smem:$0x3FB3] =	sst s6  }
0xf: {  	[smem:$0x3FB4] =	sst s7  }
0x10: {  	[smem:$0x3FB5] =	sst s8  }
0x11: {  	[smem:$0x3FB6] =	sst s9;
	s0 =	simm.s32 @!p0 $0x0  }
0x12: {  	s1 =	sld [smem:$0x3F9C];
	s0 =	simm.s32 @p0 $0x1  }
0x13: {  	[smem:$0x3FB7] =	sst s0;
	s0 =	simm.s32 @!p1 $0x0  }
0x14: {  	s2 =	sld [smem:$0x3F9B];
	s0 =	simm.s32 @p1 $0x1  }
0x15: {  	[smem:$0x3FB8] =	sst s0;
	s0 =	simm.s32 @!p2 $0x0  }
0x16: {  	s3 =	sld [smem:$0x3FDB];
	s0 =	simm.s32 @p2 $0x1  }
0x17: {  	s4 =	simm.s32 $0x1BF5;
	[smem:$0x3FBA] =	sst s0  }
0x18: {  	s0 =	sld [smem:$0x3F9D];
	_ =	swait.ge [sflag:s4], $0x0  }
0x19: {  	s7 =	sld [smem:$0x3F9E]  }
0x1a: {  	s8 =	sadd.s32 $0xFFFFE003, lr  }
0x1b: {  	s9 =	sadd.s32 $0xFFFFFEF7, lr;
	s5 =	simm.s32 $0xFFFFFFFF;
	p2 =	slt.u32 s8, $0xFFFFF086  }
0x1c: {  	p1 =	slt.u32 s9, $0xF7A;
	s5 =	simm.s32 @!p2 $0x0  }
0x1d: {  	s5 =	simm.s32 @p1 $0x1;
	p0 =	seq.s32 s7, s2  }
0x1e: {  	s7 =	smul.u32 @!p0 $0xF7A, s2;
	p2 =	seq.s32 @!p0 s5, $0x0  }
0x1f: {  	s9 =	smul.u32 $0xF7A, s1;
	s8 =	simm.s32 @!p0 $0x1BF5;
	p2 =	por !p2, p0  }
0x20: {  	[sflag:s8] =	ssyncset.s32 @!p0 $0xFFFFF086;
	s6 =	sadd.s32 @!p0 s3, s7;
	s7 =	simm.s32 @!p0 $0x108  }
0x21: {  	s3 =	sadd.s32 s3, s9;
	s6 =	sadd.s32 @!p0 $0x88, s6;
	s7 =	simm.s32 @p2 $0x1082  }
0x22: {  	[simem:s7], [sflag:s8] =	dma.local @!p0 [hbm:s6], $0xF7A  }
0x23: {  	s9 =	sor.u32 $0xD0000000, s2;
	s6 =	simm.s32 $0x108;
	_ =	swait.ge @!p0 [sflag:s8], $0x0  }
0x24: {  	s3 =	sadd.s32 $0x88, s3;
	s6 =	simm.s32 @!p1 $0x1082;
	[sflag:s4] =	ssyncset.s32 $0xFFFFF086  }
0x25: {  	[simem:s6], [sflag:s4] =	dma.local [hbm:s3], $0xF7A  }
0x26: {  	[smem:$0x3F9E] =	sst s1;
	(tag) =	ssettag s2;
	_ =	strace s9  }
0x27: {  	s1 =	sld [smem:$0x3FAE]  }
0x28: {  	s2 =	sld [smem:$0x3FAF]  }
0x29: {  	s4 =	sld [smem:$0x3FB1]  }
0x2a: {  	p0 =	seq.s32 s5, $0x0;
	s5 =	sld [smem:$0x3FB2]  }
0x2b: {  	s6 =	sld [smem:$0x3FB3]  }
0x2c: {  	s7 =	sld [smem:$0x3FB4]  }
0x2d: {  	s3 =	simm.s32 $0x108;
	s8 =	sld [smem:$0x3FB5]  }
0x2e: {  	s3 =	simm.s32 @!p0 $0x1082;
	s9 =	sld [smem:$0x3FB6]  }
0x2f: {  	lr =	sadd.s32 s0, s3;
	s0 =	sld [smem:$0x3FAD]  }
0x30: {  	s3 =	sld [smem:$0x3FB0]  }
0x31: {  	[smem:$0x3FB9] =	sst s10  }
0x32: {  	s10 =	sld [smem:$0x3FB7];
	_ =	sdelay $0x3  }
0x33: {  	p0 =	seq.s32 s10, $0x1;
	s10 =	sld [smem:$0x3FB9];
	_ =	sdelay $0x3  }
0x34: {  	[smem:$0x3FB9] =	sst s10  }
0x35: {  	s10 =	sld [smem:$0x3FB8];
	_ =	sdelay $0x3  }
0x36: {  	p1 =	seq.s32 s10, $0x1;
	s10 =	sld [smem:$0x3FB9];
	_ =	sdelay $0x3  }
0x37: {  	[smem:$0x3FB9] =	sst s10  }
0x38: {  	s10 =	sld [smem:$0x3FBA]  }
0x39: {  	_ = 	snop;
	(pc) =	sbr.ind lr, $3  }
0x3a: {  	_ = 	snop  }
0x3b: {  	_ = 	snop  }
0x3c: {  	p2 =	seq.s32 s10, $0x1;
	s10 =	sld [smem:$0x3FB9]  }
0x3d: {  	_ =	shalt  }
0x3e: {  	_ =	shalt  }
0x3f: {  	_ =	shalt  }
0x40: {  	_ =	shalt  }
0x41: {  	_ =	shalt  }
0x42: {  	_ =	shalt  }
0x43: {  	_ =	shalt  }
0x44: {  	_ =	shalt  }
0x45: {  	_ =	shalt  }
0x46: {  	_ =	shalt  }
0x47: {  	_ =	shalt  }
0x48: {  	_ =	shalt  }
0x49: {  	_ =	shalt  }
0x4a: {  	_ =	shalt  }
0x4b: {  	_ =	shalt  }
0x4c: {  	_ =	shalt  }
0x4d: {  	_ =	shalt  }
0x4e: {  	_ =	shalt  }
0x4f: {  	_ =	shalt  }
0x50: {  	_ =	shalt  }
0x51: {  	_ =	shalt  }
0x52: {  	_ =	shalt  }
0x53: {  	_ =	shalt  }
0x54: {  	_ =	shalt  }
0x55: {  	_ =	shalt  }
0x56: {  	_ =	shalt  }
0x57: {  	_ =	shalt  }
0x58: {  	_ =	shalt  }
0x59: {  	_ =	shalt  }
0x5a: {  	_ =	shalt  }
0x5b: {  	_ =	shalt  }
0x5c: {  	_ =	shalt  }
0x5d: {  	_ =	shalt  }
0x5e: {  	_ =	shalt  }
0x5f: {  	_ =	shalt  }
0x60: {  	_ =	shalt  }
0x61: {  	_ =	shalt  }
0x62: {  	_ =	shalt  }
0x63: {  	_ =	shalt  }
0x64: {  	_ =	shalt  }
0x65: {  	_ =	shalt  }
0x66: {  	_ =	shalt  }
0x67: {  	_ =	shalt  }
0x68: {  	_ =	shalt  }
0x69: {  	_ =	shalt  }
0x6a: {  	_ =	shalt  }
0x6b: {  	_ =	shalt  }
0x6c: {  	_ =	shalt  }
0x6d: {  	_ =	shalt  }
0x6e: {  	_ =	shalt  }
0x6f: {  	_ =	shalt  }
0x70: {  	_ =	shalt  }
0x71: {  	_ =	shalt  }
0x72: {  	_ =	shalt  }
0x73: {  	_ =	shalt  }
0x74: {  	_ =	shalt  }
0x75: {  	_ =	shalt  }
0x76: {  	_ =	shalt  }
0x77: {  	_ =	shalt  }
0x78: {  	_ =	shalt  }
0x79: {  	_ =	shalt  }
0x7a: {  	_ =	shalt  }
0x7b: {  	_ =	shalt  }
0x7c: {  	_ =	shalt  }
0x7d: {  	_ =	shalt  }
0x7e: {  	_ =	shalt  }
0x7f: {  	_ =	shalt  }
0x80: {  	_ =	shalt  }
0x81: {  	_ =	shalt  }
0x82: {  	_ =	shalt  }
0x83: {  	_ =	shalt  }
0x84: {  	_ =	shalt  }
0x85: {  	_ =	shalt  }
0x86: {  	_ =	shalt  }
0x87: {  	_ =	shalt  }
.Lfunc_end0:
.L_simem_size_0:
called_computation_lowered:
.L_overlay_start_0:
0x88: {  	s2 =	sld [smem:$0x3FD9]  }
0x89: {  	s3 =	sld [smem:$0x3FFE];
	_ =	sdelay $0x1  }
0x8a: {  	s1 =	srdreg.scid  }
0x8b: {  	s0 =	sand.u32 $0x1, s1  }
0x8c: {  	s17 =	sshll.u32 s0, $0xA;
	s2 =	sadd.s32 s3, s2  }
0x8d: {  	s2 =	sadd.s32 s2, s17  }
0x8e: {  	[smem:$0x3FC5] =	sst s2  }
0x8f: {  	_ = 	snop  }
0x90: {  	s2 =	sld [smem:$0x3FD0];
	(tm) =	ssettm $0x1  }
0x91: {  	s18 =	sld [smem:$0x3FFB];
	_ =	sdelay $0x3  }
0x92: {  	_ =	strace s18  }
0x93: {  	s3 =	sld [smem:$0x3FFC];
	_ =	sdelay $0x3  }
0x94: {  	_ =	strace s3  }
0x95: {  	s3 =	sld [smem:$0x3FFD];
	_ =	sdelay $0x3  }
0x96: {  	_ =	strace s3  }
0x97: {  	_ =	strace $0x8FFFFFFF  }
0x98: {  	s19 =	sld [smem:$0x3FDB];
	_ =	sdelay $0x1  }
0x99: {  	s4 =	simm.s32 $_scs_section_size  }
0x9a: {  	s5 =	simm.s32 $_size__tile_overlayer_lowered;
	s6 =	simm.s32 $_tile_overlayer_lowered  }
0x9b: {  	s22 =	simm.s32 $0x1BFF;
	s21 =	sshll.u32 s6, $0x1;
	s3 =	sadd.s32 s4, s19  }
0x9c: {  	s7 =	simm.s32 $0x0;
	s20 =	sshll.u32 s5, $0x1;
	s5 =	sadd.s32 s21, s3  }
0x9d: {  	[timem:s7], [sflag:s22] =	dma.local [hbm:s5], s20  }
0x9e: {  	_ =	swait.ge [sflag:s22], s20  }
0x9f: {  	s4 =	ssub.s32 $0x0, s20;
	[sflag:s22] =	ssyncset.done $0x0  }
0xa0: {  	[sflag:s22] =	ssyncadd.s32 s4;
	_ =	sdelay $0x1  }
0xa1: {  	s23 =	simm.s32 $0x1B8B  }
0xa2: {  	_ =	swait.ge [sflag:s23], $0x1  }
0xa3: {  	[sflag:s23] =	ssyncset.done $0x0  }
0xa4: {  	s25 =	simm.s32 $0x1B8E;
	s24 =	sld [smem:$0x3FFE];
	[sflag:s23] =	ssyncadd.s32 $0xFFFFFFFF  }
0xa5: {  	s26 =	simm.s32 $execute0_lowered;
	[smem:$0x3FD2] =	sst s25  }
0xa6: {  	s5 =	sshll.u32 s26, $0x1;
	_ =	strace $0x80000046;
	[dreg:$0x1] =	wrdreg $0xFFFFFFFF  }
0xa7: {  	s28 =	simm.s32 $_size_execute0_lowered;
	s3 =	sadd.s32 s3, s5;
	[dreg:$0x0] =	wrdreg $0x0  }
0xa8: {  	s5 =	sshll.u32 s28, $0x1;
	[dreg:$0x2] =	wrdreg s3  }
0xa9: {  	[dreg:$0x3] =	wrdreg s5  }
0xaa: {  	[dreg:$0x4] =	wrdreg $0xC0  }
0xab: {  	_ =	task [dreg:s7], $0x5FFFF  }
0xac: {  	[dreg:$0x1] =	wrdreg $0xFFFFFFFF  }
0xad: {  	[dreg:$0x0] =	wrdreg $0x60  }
0xae: {  	[dreg:$0x2] =	wrdreg s24  }
0xaf: {  	[dreg:$0x3] =	wrdreg s2  }
0xb0: {  	[dreg:$0x4] =	wrdreg $0x9  }
0xb1: {  	_ =	task.clear_ibuf [dreg:s7], $0x5FFFF;
	_ =	strace $0x90000046  }
0xb2: {  	s29 =	simm.s32 $0x9;
	_ =	strace $0x80000048  }
0xb3: {  	_ =	swait.ge [sflag:s29], $0x1  }
0xb4: {  	[sflag:s29] =	ssyncadd.s32 $0xFFFFFFFF  }
0xb5: {  	_ =	strace $0x90000048  }
0xb6: {  	_ =	sfence  }
0xb7: {  	s30 =	sld [smem:$0x0];
	_ =	sdelay $0x2  }
0xb8: {  	s31 =	sshll.u32 s1, $0xD;
	s1 =	sshrl.u32 s1, $0x2  }
0xb9: {  	s3 =	sand.u32 $0x4000, s31;
	s1 =	sadd.s32 s1, s30  }
0xba: {  	s0 =	sor.u32 s3, s0;
	s1 =	sshll.u32 s1, $0x11  }
0xbb: {  	s0 =	sor.u32 s1, s0  }
0xbc: {  	s0 =	sadd.s32 $0x8F2B, s0  }
0xbd: {  	[sflag:s0] =	ssyncadd.remote.s32 $0x1  }
0xbe: {  	_ =	sfence.sel $0xFFFF  }
0xbf: {  	[dreg:$0x0] =	wrdreg $0xFFFFFFFF;
	(pc) =	sbr.abs _section_cstart, $3  }
0xc0: {  	[dreg:$0x1] =	wrdreg $0xFFFFFFFF  }
0xc1: {  	_ =	task.clear_ibuf [dreg:s7], $0x2FFFF;
	_ =	strace $0x9FFFFFFF  }
0xc2: {  	(tm) =	ssettm $0x7FFFFFFF  }
0xc3: {  	_ =	shalt  }
tec
execute0_lowered:
.L_overlay_start_1:
0x0: {  	(tag) =	ssettag $0x1  }
0x1: {  	s4 =	rddreg [dreg:$0x0]  }
0x2: {  	s6 =	rddreg [dreg:$0x1]  }
0x3: {  	s0 =	rddreg [dreg:$0x2];
	s3 =	srdreg.scid  }
0x4: {  	s1 =	stileid.u32;
	s2 =	simm.s32 $0x0;
	s13 =	simm.s32 $0x200  }
0x5: {  	s14 =	simm.s32 $0xC80;
	s5 =	sand.u32 $0x1, s3;
	s29 =	sshll.u32 s1, $0x1  }
0x6: {  	[smem:$0x7FF] =	sst s2;
	s11 =	sshll.u32 s1, $0x8;
	s7 =	sor.u32 s5, s29  }
0x7: {  	_ =	strace $0x80000047;
	s5 =	ssub.s32 $0x2, s5;
	s3 =	sshll.u32 s7, $0x8  }
0x8: {  	s8 =	sshll.u32 s7, $0x4;
	s10 =	sshll.u32 s7, $0xB;
	s7 =	sshll.u32 s7, $0xC  }
0x9: {  	s31 =	sshrl.u32 s5, $0x1;
	s9 =	sadd.s32 s3, s4;
	s8 =	sadd.s32 s8, s4  }
0xa: {  	s3 =	sadd.s32 $0x183800, s4;
	s12 =	sadd.s32 s10, s4;
	s30 =	sor.u32 s7, s11  }
0xb: {  	s11 =	sand.u32 $0x800, s11;
	s6 =	sadd.s32 s6, s10;
	s10 =	simm.s32 $0x800  }
0xc: {  	s7 =	sor.u32 s7, s11;
	s4 =	sand.u32 $0xF800, s30;
	s11 =	ssub.s32 s5, s31  }
0xd: {  	s5 =	sadd.s32 $0x183600, s8;
	s15 =	sor.u32 $0x10000, s7;
	s16 =	sor.u32 $0x20000, s4  }
0xe: {  	s17 =	simm.s32 $0x0;
	s4 =	sadd.s32 $0x181600, s9;
	s7 =	sadd.s32 $0x243800, s12  }
0xf: {  	v1 =	vlaneseq.u32;
	s8 =	smax.u32 s11, $0x1;
	s9 =	simm.s32 $0x2;
	s11 =	simm.s32 $0x880  }
0x10: {  	v2 =	vimm.s32 $0x0;
	s12 =	simm.s32 $0xA80;
	v0 =	vor.u32 s15, v1;
	v1 =	vor.u32 s16, v1;
	s15 =	simm.s32 $0x1;
	s16 =	simm.s32 $0x4C80  }
.LBB2_1:
0x11: {  	[tilespmem:s2], [sflag:$0x2] =	stream.linear.gather [hbm4b:s4+s2], $0x800, $0x38;
	[tilespmem:$0x8C80] =	vst v63  }
0x12: {  	_ =	swait.ge [sflag:s9], $0x800  }
0x13: {  	[sflag:s9] =	ssyncset.done $0x0  }
0x14: {  	[sflag:s9] =	ssyncadd.s32 $0xFFFFF800  }
0x15: {  	[tilespmem:s10], [sflag:$0x2] =	stream.linear.gather [hbm4b:s5+s2], $0x80, $0x38;
	[tilespmem:$0x8C80] =	vst v63  }
0x16: {  	_ =	swait.ge [sflag:s9], $0x80  }
0x17: {  	[sflag:s9] =	ssyncset.done $0x0  }
0x18: {  	[sflag:s9] =	ssyncadd.s32 $0xFFFFFF80  }
0x19: {  	s18 =	simm.s32 $0x40;
	v3 =	vld [tilespmem:$0x800]  }
0x1a: {  	v4 =	vld [tilespmem:s18+$0xFFFFFFC0];
	_ =	sdelay $0x1  }
0x1b: {  	v5 =	vld [tilespmem:s18+$0xFFFFFFD0]  }
0x1c: {  	v6 =	vld [tilespmem:s18+$0xFFFFFFE0]  }
0x1d: {  	v7 =	vld [tilespmem:s18+$0xFFFFFFF0]  }
0x1e: {  	vm0 =	vge.f32 v4, v3;
	v4 =	vld [tilespmem:s18+$0x10]  }
0x1f: {  	v8 =	vld [tilespmem:s18+$0x0]  }
0x20: {  	v9 =	vsel vm0, $0x1, v2  }
0x21: {  	vm2 =	vge.f32 v5, v3;
	(xrf0) =	vadd.scan.msk.s32 $0xffff, v9  }
0x22: {  	v11 =	vmov s2;
	vm3 =	vge.f32 v6, v3;
	v5 =	vsel vm2, $0x1, v2  }
0x23: {  	vm4 =	vge.f32 v7, v3;
	v9 =	vsel vm3, $0x1, v2;
	(xrf0) =	vadd.scan.msk.s32 $0xffff, v5;
	vm6 =	vge.f32 v4, v3  }
0x24: {  	v6 =	vld [tilespmem:s18+$0x20];
	vm5 =	vge.f32 v8, v3;
	v7 =	vsel vm4, $0x1, v2;
	(xrf0) =	vadd.scan.msk.s32 $0xffff, v9;
	v4 =	vsel vm6, $0x1, v2  }
0x25: {  	v11 =	vadd.s32 $0xFFFFFFFF, v11;
	v8 =	vsel vm5, $0x1, v2;
	(xrf0) =	vadd.scan.msk.s32 $0xffff, v7  }
0x26: {  	v11 =	vbroadcast v11, $0x0;
	v5 =	vld [tilespmem:s18+$0x30];
	(xrf0) =	vadd.scan.msk.s32 $0xffff, v8  }
0x27: {  	(xrf0) =	vadd.scan.msk.s32 $0xffff, v4;
	v4, _, _ =	vpop (xrf0)  }
0x28: {  	v11 =	vadd.s32 v4, v11  }
0x29: {  	vm7 =	vge.f32 v6, v3;
	(v2sf) =	vpush v4, $0xF;
	vm1 =	vlt.s32 v11, $0x200  }
0x2a: {  	v4 =	vimm.s32 $0x0;
	vm1 =	vmand vm0, vm1;
	vm0 =	vmmov vm2  }
0x2b: {  	v6 =	vsel vm7, $0x1, v2;
	vm8 =	vge.f32 v5, v3;
	v9, _, _ =	vpop (xrf0);
	v4 =	vsel vm0, $0xFFFFFFFF, v4  }
0x2c: {  	(v2sf) =	vpush v9, $0xF;
	vm0 =	vmmov vm3;
	[tilespmem:$0x1FFA0] =	vst v4;
	v4 =	vimm.s32 $0x0  }
0x2d: {  	v5 =	vsel vm8, $0x1, v2;
	(xrf0) =	vadd.scan.msk.s32 $0xffff, v6;
	v4 =	vsel vm0, $0xFFFFFFFF, v4  }
0x2e: {  	v6, _, _ =	vpop (xrf0);
	(xrf0) =	vadd.scan.msk.s32 $0xffff, v5;
	vm0 =	vmmov vm4;
	[tilespmem:$0x1FFB0] =	vst v4;
	v4 =	vimm.s32 $0x0  }
0x2f: {  	(v2sf) =	vpush v6, $0xF;
	v4 =	vsel vm0, $0xFFFFFFFF, v4  }
0x30: {  	v7, _, _ =	vpop (xrf0);
	vm0 =	vmmov vm5;
	[tilespmem:$0x1FFC0] =	vst v4;
	v4 =	vimm.s32 $0x0  }
0x31: {  	(v2sf) =	vpush v7, $0xF;
	v5, _, _ =	vpop (xrf0);
	v4 =	vsel vm0, $0xFFFFFFFF, v4  }
0x32: {  	(v2sf) =	vpush v5, $0xF;
	v8, _, _ =	vpop (xrf0);
	vm0 =	vmmov vm6;
	[tilespmem:$0x1FFD0] =	vst v4;
	v4 =	vimm.s32 $0x0  }
0x33: {  	(v2sf) =	vpush v8, $0xF;
	v10, _, _ =	vpop (xrf0);
	v4 =	vsel vm0, $0xFFFFFFFF, v4  }
0x34: {  	s18 =	simm.s32 $0xC0;
	(v2sf) =	vpush v10, $0xF;
	v12, _, _ =	vpop (xrf0);
	[tilespmem:$0x1FFE0] =	vst v4  }
0x35: {  	(v2sf) =	vpush v12, $0xF;
	v13 =	vld [tilespmem:s18+$0xFFFFFFC0]  }
0x36: {  	v15 =	vld [tilespmem:s18+$0xFFFFFFD0]  }
0x37: {  	v18 =	vld [tilespmem:s18+$0xFFFFFFE0]  }
0x38: {  	v21 =	vld [tilespmem:s18+$0xFFFFFFF0]  }
0x39: {  	v23 =	vld [tilespmem:s18+$0x0]  }
0x3a: {  	v59 =	vld [tilespmem:s18+$0x20];
	s24 =	spop (v2sf)  }
0x3b: {  	v16 =	vor.u32 s2, v0;
	v17 =	vor.u32 s2, v1;
	v61 =	vimm.s32 $0x0;
	s19 =	sadd.s32 $0x0, s24;
	s20 =	spop (v2sf)  }
0x3c: {  	vm5 =	vmmov vm7;
	vm7 =	vmmov vm8;
	v4 =	vmov s19;
	s19 =	sadd.s32 s19, s20  }
0x3d: {  	v4 =	vadd.s32 $0xFFFFFFFF, v4;
	v14 =	vmov s19;
	vm11 =	vge.f32 v13, v3  }
0x3e: {  	s25 =	spop (v2sf);
	vm8 =	vge.f32 v15, v3;
	vm9 =	vge.f32 v18, v3;
	vm0 =	vge.f32 v21, v3  }
0x3f: {  	s19 =	sadd.s32 s19, s25;
	vm10 =	vge.f32 v23, v3;
	vm15 =	vge.f32 v59, v3;
	v19 =	vbroadcast v4, $0x0  }
0x40: {  	v60 =	vld [tilespmem:s18+$0x30];
	s26 =	spop (v2sf);
	v4 =	vadd.s32 $0xFFFFFFFF, v14;
	v14 =	vmov s19;
	v25 =	vsel vm11, $0x1, v2  }
0x41: {  	v13 =	vld [tilespmem:s18+$0x10];
	s19 =	sadd.s32 s19, s26;
	s28 =	spop (v2sf);
	v26 =	vsel vm8, $0x1, v2;
	v27 =	vsel vm9, $0x1, v2;
	v62 =	vsel vm0, $0x1, v2  }
0x42: {  	v20 =	vbroadcast v4, $0x0;
	v4 =	vadd.s32 $0xFFFFFFFF, v14;
	v14 =	vmov s19;
	s19 =	sadd.s32 s19, s28;
	s29 =	spop (v2sf)  }
0x43: {  	(xrf0) =	vadd.scan.msk.s32 $0xffff, v25;
	v22 =	vbroadcast v4, $0x0;
	v4 =	vadd.s32 $0xFFFFFFFF, v14;
	v14 =	vmov s19;
	s19 =	sadd.s32 s19, s29;
	s30 =	spop (v2sf)  }
0x44: {  	v23 =	vsel vm10, $0x1, v2;
	(xrf0) =	vadd.scan.msk.s32 $0xffff, v26;
	v26 =	vsel vm0, $0xFFFFFFFF, v61;
	v24 =	vmov s19;
	s19 =	sadd.s32 s19, s30;
	s31 =	spop (v2sf)  }
0x45: {  	vm0 =	vge.f32 v60, v3;
	v4 =	vbroadcast v4, $0x0;
	v14 =	vadd.s32 $0xFFFFFFFF, v14;
	s22 =	sadd.s32 s19, s31  }
0x46: {  	(xrf0) =	vadd.scan.msk.s32 $0xffff, v27;
	v15 =	vadd.s32 $0xFFFFFFFF, v24;
	vm13 =	vge.f32 v13, v3;
	v21 =	vmov s22  }
0x47: {  	(xrf0) =	vadd.scan.msk.s32 $0xffff, v62;
	v14 =	vbroadcast v14, $0x0;
	v18 =	vmov s19;
	v13 =	vadd.s32 $0xFFFFFFFF, v21  }
0x48: {  	(xrf0) =	vadd.scan.msk.s32 $0xffff, v23;
	v21 =	vsel vm13, $0x1, v2;
	v23 =	vbroadcast v13, $0x0;
	v13 =	vsel vm15, $0x1, v2  }
0x49: {  	v25 =	vsel vm0, $0x1, v2;
	v15 =	vbroadcast v15, $0x0;
	v18 =	vadd.s32 $0xFFFFFFFF, v18;
	(xrf0) =	vadd.scan.msk.s32 $0xffff, v21  }
0x4a: {  	v14 =	vadd.s32 v8, v14;
	v8 =	vadd.s32 v6, v20;
	v18 =	vbroadcast v18, $0x0;
	v63, _, _ =	vpop (xrf0);
	(xrf0) =	vadd.scan.msk.s32 $0xffff, v13  }
0x4b: {  	v6 =	vadd.s32 v9, v19;
	v15 =	vadd.s32 v10, v15;
	(v2sf) =	vpush v63, $0xF;
	v13, _, _ =	vpop (xrf0)  }
0x4c: {  	[tilespmem:$0x1FFF0] =	vst v26;
	v21 =	vadd.s32 v12, v18;
	v12 =	vadd.s32 v5, v4;
	(v2sf) =	vpush v13, $0xF;
	v4, _, _ =	vpop (xrf0)  }
0x4d: {  	[tilespmem:v11+s11+$0x0] =	vst.idx.msk vm1, v16;
	v10 =	vadd.s32 v7, v22;
	vm14 =	vlt.s32 v14, $0x200;
	(v2sf) =	vpush v4, $0xF;
	v5, _, _ =	vpop (xrf0)  }
0x4e: {  	[tilespmem:v11+s12+$0x0] =	vst.idx.msk vm1, v17;
	vm1 =	vlt.s32 v8, $0x200;
	vm2 =	vlt.s32 v15, $0x200;
	(v2sf) =	vpush v5, $0xF;
	v7, _, _ =	vpop (xrf0)  }
0x4f: {  	vm12 =	vlt.s32 v10, $0x200;
	v18 =	vadd.s32 v63, v23;
	(v2sf) =	vpush v7, $0xF;
	v9, _, _ =	vpop (xrf0)  }
0x50: {  	s21 =	simm.s32 $0x8;
	s20 =	simm.s32 $0x0;
	s19 =	simm.s32 $0x0;
	vm3 =	vlt.s32 v21, $0x200;
	vm4 =	vlt.s32 v12, $0x200;
	(xrf0) =	vadd.scan.msk.s32 $0xffff, v25;
	(v2sf) =	vpush v9, $0xF;
	v11, _, _ =	vpop (xrf0)  }
.LBB2_2:
0x51: {  	v17 =	vmov v13;
	v13 =	vld [tilespmem:$0x1FFC0];
	_ =	sdelay $0x3  }
0x52: {  	vm6 =	vmmov vm5  }
0x53: {  	vm6 =	vmand vm6, vm2;
	vm2 =	vnez.u8 v13;
	v13 =	vld [tilespmem:$0x1FFD0];
	_ =	sdelay $0x4  }
0x54: {  	vm7 =	vmand vm7, vm3;
	vm3 =	vnez.u8 v13;
	v13 =	vld [tilespmem:$0x1FFE0];
	_ =	sdelay $0x4  }
0x55: {  	vm3 =	vmand vm3, vm4;
	vm4 =	vnez.u8 v13;
	v13 =	vld [tilespmem:$0x1FFA0];
	_ =	sdelay $0x3  }
0x56: {  	vm5 =	vlt.s32 v18, $0x200  }
0x57: {  	vm2 =	vmand vm2, vm12;
	vm12 =	vmand vm11, vm5;
	vm5 =	vnez.u8 v13;
	v13 =	vld [tilespmem:$0x1FFB0]  }
0x58: {  	v22 =	vimm.s32 $0x0  }
0x59: {  	v20 =	vsel vm0, $0xFFFFFFFF, v22  }
0x5a: {  	vm0 =	vmmov vm15;
	vm15 =	vmmov vm13;
	vm13 =	vmmov vm10  }
0x5b: {  	vm10 =	vmmov vm9;
	vm9 =	vmmov vm8;
	vm8 =	vlt.s32 v6, $0x200  }
0x5c: {  	vm4 =	vmand vm4, vm14;
	vm14 =	vmand vm5, vm8;
	vm5 =	vnez.u8 v13  }
0x5d: {  	v13 =	vimm.s32 $0x0;
	vm1 =	vmand vm5, vm1;
	vm5 =	vmmov vm9  }
0x5e: {  	v13 =	vsel vm5, $0xFFFFFFFF, v13  }
0x5f: {  	vm5 =	vmmov vm10;
	[tilespmem:$0x1FFA0] =	vst v13;
	v13 =	vimm.s32 $0x0  }
0x60: {  	v13 =	vsel vm5, $0xFFFFFFFF, v13  }
0x61: {  	[tilespmem:$0x1FFB0] =	vst v13;
	v13 =	vld [tilespmem:$0x1FFF0];
	_ =	sdelay $0x3  }
0x62: {  	s25 =	sadd.s32 $0x60, s20  }
0x63: {  	(v2sf) =	vpush v11, $0xF;
	v24 =	vor.u32 s25, v0;
	[tilespmem:$0x1FF90] =	vst v20;
	vm8 =	vnez.u8 v13  }
0x64: {  	s23 =	sadd.s32 $0x70, s19;
	s19 =	sadd.s32 $0x80, s19;
	v46 =	vor.u32 s25, v1;
	v19, _, _ =	vpop (xrf0);
	[tilespmem:v15+s11+$0x0] =	vst.idx.msk vm6, v24;
	v13 =	vimm.s32 $0x0;
	vm5 =	vmmov vm8  }
0x65: {  	s31 =	sadd.s32 $0x40, s20;
	v22 =	vor.u32 s19, v0;
	(v2sf) =	vpush v19, $0xF;
	[tilespmem:v15+s12+$0x0] =	vst.idx.msk vm6, v46;
	v13 =	vsel vm5, $0xFFFFFFFF, v13  }
0x66: {  	s24 =	sadd.s32 $0x10, s20;
	s29 =	sadd.s32 $0x30, s20;
	v47 =	vor.u32 s31, v0;
	vm5 =	vmmov vm13;
	[tilespmem:$0x1FFC0] =	vst v13;
	v13 =	vimm.s32 $0x0  }
0x67: {  	s18 =	sadd.s32 $0x80, s18;
	v23 =	vor.u32 s24, v1;
	v25 =	vor.u32 s29, v0;
	s28 =	spop (v2sf);
	[tilespmem:v12+s11+$0x0] =	vst.idx.msk vm3, v47;
	v13 =	vsel vm5, $0xFFFFFFFF, v13  }
0x68: {  	v28 =	vld [tilespmem:s18+$0xFFFFFFC0];
	v30 =	vor.u32 s31, v1;
	s22 =	sadd.s32 s22, s28;
	vm5 =	vmmov vm15;
	[tilespmem:$0x1FFD0] =	vst v13;
	v13 =	vimm.s32 $0x0  }
0x69: {  	v26 =	vor.u32 s29, v1;
	v51 =	vld [tilespmem:s18+$0xFFFFFFE0];
	s30 =	spop (v2sf);
	v15 =	vmov s22;
	[tilespmem:v12+s12+$0x0] =	vst.idx.msk vm3, v30;
	v13 =	vsel vm5, $0xFFFFFFFF, v13  }
0x6a: {  	v16 =	vmovc v18;
	v20 =	vor.u32 s19, v1;
	v18 =	vld [tilespmem:$0x1FF90];
	s22 =	sadd.s32 s22, s30;
	v15 =	vadd.s32 $0xFFFFFFFF, v15;
	[tilespmem:$0x1FFE0] =	vst v13;
	v13 =	vor.u32 s23, v0  }
0x6b: {  	s26 =	sadd.s32 $0x20, s20;
	s25 =	spop (v2sf);
	v29 =	vmov s22;
	v49 =	vbroadcast v15, $0x0;
	v55 =	vld [tilespmem:s18+$0x0];
	[tilespmem:v21+s11+$0x0] =	vst.idx.msk vm7, v13;
	v13 =	vor.u32 s23, v1  }
0x6c: {  	s22 =	sadd.s32 s22, s25;
	v15 =	vadd.s32 $0xFFFFFFFF, v29;
	v12 =	vld [tilespmem:s18+$0xFFFFFFF0];
	[tilespmem:v21+s12+$0x0] =	vst.idx.msk vm7, v13;
	v13 =	vor.u32 s26, v0;
	v21 =	vor.u32 s26, v1;
	s26 =	sadd.s32 $0x50, s20  }
0x6d: {  	v50 =	vmov s22;
	v31 =	vbroadcast v15, $0x0;
	v27 =	vor.u32 s26, v0  }
0x6e: {  	v15 =	vadd.s32 $0xFFFFFFFF, v50;
	vm9 =	vge.f32 v51, v3;
	v48 =	vor.u32 s26, v1;
	[tilespmem:v14+s11+$0x0] =	vst.idx.msk vm4, v27  }
0x6f: {  	vm11 =	vge.f32 v28, v3;
	v53 =	vbroadcast v15, $0x0;
	v61 =	vsel vm9, $0x1, v2;
	[tilespmem:v14+s12+$0x0] =	vst.idx.msk vm4, v48;
	v14 =	vld [tilespmem:s18+$0xFFFFFFD0]  }
0x70: {  	[tilespmem:v10+s11+$0x0] =	vst.idx.msk vm2, v25;
	vm10 =	vge.f32 v55, v3;
	vm5 =	vmmov vm0;
	vm0 =	vnez.u8 v18;
	s26 =	spop (v2sf)  }
0x71: {  	[tilespmem:v10+s12+$0x0] =	vst.idx.msk vm2, v26;
	v18 =	vor.u32 s24, v0;
	vm8 =	vmmov vm0;
	vm0 =	vge.f32 v12, v3;
	s22 =	sadd.s32 s22, s26;
	s28 =	spop (v2sf)  }
0x72: {  	vm7 =	vmmov vm8;
	[tilespmem:v8+s11+$0x0] =	vst.idx.msk vm1, v13;
	v13 =	vsel vm11, $0x1, v2;
	v52 =	vmov s22;
	s22 =	sadd.s32 s22, s28;
	s29 =	spop (v2sf)  }
0x73: {  	(xrf0) =	vadd.scan.msk.s32 $0xffff, v13;
	[tilespmem:v6+s11+$0x0] =	vst.idx.msk vm14, v18;
	v15 =	vadd.s32 $0xFFFFFFFF, v52;
	v54 =	vmov s22;
	s22 =	sadd.s32 s22, s29;
	s30 =	spop (v2sf)  }
0x74: {  	v10 =	vld [tilespmem:s18+$0x10];
	[tilespmem:v6+s12+$0x0] =	vst.idx.msk vm14, v23;
	v6 =	vadd.s32 v17, v49;
	v56 =	vmov s22;
	s22 =	sadd.s32 s22, s30;
	s31 =	spop (v2sf);
	vm8 =	vge.f32 v14, v3  }
0x75: {  	[tilespmem:v8+s12+$0x0] =	vst.idx.msk vm1, v21;
	v32 =	vbroadcast v15, $0x0;
	v58 =	vmov s22;
	s22 =	sadd.s32 s22, s31;
	v14 =	vld [tilespmem:s18+$0x20];
	v8 =	vsel vm8, $0x1, v2  }
0x76: {  	v15 =	vadd.s32 $0xFFFFFFFF, v54;
	v59 =	vmov s22;
	(xrf0) =	vadd.scan.msk.s32 $0xffff, v8;
	v8 =	vimm.s32 $0x0  }
0x77: {  	v21 =	vld [tilespmem:s18+$0x30];
	v13 =	vadd.s32 $0xFFFFFFFF, v58;
	v60 =	vadd.s32 $0xFFFFFFFF, v59;
	v8 =	vsel vm0, $0xFFFFFFFF, v8  }
0x78: {  	v12 =	vbroadcast v13, $0x0;
	(xrf0) =	vadd.scan.msk.s32 $0xffff, v61;
	[tilespmem:$0x1FFF0] =	vst v8;
	v8 =	vsel vm0, $0x1, v2  }
0x79: {  	v13 =	vsel vm10, $0x1, v2;
	vm13 =	vge.f32 v10, v3;
	v24 =	vbroadcast v60, $0x0;
	(xrf0) =	vadd.scan.msk.s32 $0xffff, v8  }
0x7a: {  	v57 =	vadd.s32 $0xFFFFFFFF, v56;
	v63, _, _ =	vpop (xrf0);
	v10 =	vsel vm13, $0x1, v2;
	vm15 =	vge.f32 v14, v3;
	(xrf0) =	vadd.scan.msk.s32 $0xffff, v13  }
0x7b: {  	(v2sf) =	vpush v63, $0xF;
	v18 =	vadd.s32 v63, v24;
	v62 =	vsel vm15, $0x1, v2;
	(xrf0) =	vadd.scan.msk.s32 $0xffff, v10  }
0x7c: {  	s21 =	sadd.s32 $0x8, s21;
	vm0 =	vge.f32 v21, v3;
	v21 =	vadd.s32 v19, v12;
	v8 =	vbroadcast v57, $0x0;
	(xrf0) =	vadd.scan.msk.s32 $0xffff, v62  }
0x7d: {  	p0 =	slt.u32 s21, $0x78;
	v12 =	vadd.s32 v7, v32;
	v14 =	vbroadcast v15, $0x0;
	v10 =	vsel vm0, $0x1, v2;
	v13, _, _ =	vpop (xrf0)  }
.Ltmp0:
0x7e: {  	v15 =	vadd.s32 v11, v8;
	v8 =	vadd.s32 v4, v31;
	(v2sf) =	vpush v13, $0xF;
	v4, _, _ =	vpop (xrf0);
	(pc) =	sbr.rel @p0 .LBB2_2-.Ltmp0, $4  }
0x7f: {  	vm3 =	vlt.s32 v21, $0x200;
	(xrf0) =	vadd.scan.msk.s32 $0xffff, v10;
	v10 =	vadd.s32 v5, v53;
	(v2sf) =	vpush v4, $0xF;
	v5, _, _ =	vpop (xrf0)  }
0x80: {  	vm4 =	vlt.s32 v12, $0x200;
	v14 =	vadd.s32 v9, v14;
	(v2sf) =	vpush v5, $0xF;
	v7, _, _ =	vpop (xrf0)  }
0x81: {  	[tilespmem:v16+s11+$0x0] =	vst.idx.msk vm12, v22;
	vm2 =	vlt.s32 v15, $0x200;
	vm14 =	vlt.s32 v14, $0x200;
	(v2sf) =	vpush v7, $0xF;
	v9, _, _ =	vpop (xrf0)  }
0x82: {  	[tilespmem:v16+s12+$0x0] =	vst.idx.msk vm12, v20;
	s20 =	smov.u32 s19;
	vm1 =	vlt.s32 v8, $0x200;
	vm12 =	vlt.s32 v10, $0x200;
	(v2sf) =	vpush v9, $0xF;
	v11, _, _ =	vpop (xrf0)  }
0x83: {  	v3 =	vld [tilespmem:$0x1FFC0];
	_ =	sdelay $0x4  }
0x84: {  	vm2 =	vmand vm5, vm2;
	vm5 =	vnez.u8 v3;
	v3 =	vld [tilespmem:$0x1FFD0];
	_ =	sdelay $0x3  }
0x85: {  	(v2sf) =	vpush v11, $0xF  }
0x86: {  	vm12 =	vmand vm5, vm12;
	vm5 =	vnez.u8 v3;
	v3 =	vld [tilespmem:$0x1FFE0];
	_ =	sdelay $0x4  }
0x87: {  	vm3 =	vmand vm7, vm3;
	s24 =	sadd.s32 $0x70, s19;
	s18 =	spop (v2sf);
	vm7 =	vmand vm5, vm4;
	vm4 =	vnez.u8 v3;
	v3 =	vld [tilespmem:$0x1FFA0]  }
0x88: {  	s26 =	sadd.s32 $0x60, s20;
	s18 =	sadd.s32 s22, s18;
	s21 =	spop (v2sf)  }
0x89: {  	vm13 =	vmmov vm13;
	vm0 =	vmmov vm0;
	s19 =	sadd.s32 $0x80, s19;
	v16 =	vor.u32 s24, v1;
	s21 =	sadd.s32 s18, s21;
	s29 =	spop (v2sf)  }
0x8a: {  	v17 =	vor.u32 s26, v0;
	v19 =	vor.u32 s26, v1;
	v38 =	vor.u32 s19, v0;
	s22 =	sadd.s32 s21, s29;
	s23 =	spop (v2sf)  }
0x8b: {  	s26 =	sadd.s32 $0x50, s20;
	v47 =	vor.u32 s19, v1;
	s23 =	sadd.s32 s22, s23;
	s25 =	spop (v2sf);
	vm6 =	vmand vm4, vm14;
	vm14 =	vlt.s32 v18, $0x200  }
0x8c: {  	v26 =	vor.u32 s26, v0;
	s25 =	sadd.s32 s23, s25;
	s28 =	spop (v2sf);
	vm11 =	vmand vm11, vm14;
	vm14 =	vnez.u8 v3;
	v3 =	vld [tilespmem:$0x1FFB0]  }
0x8d: {  	v30 =	vor.u32 s26, v1;
	v49 =	vmov s18;
	vm5 =	vlt.s32 v6, $0x200;
	s29 =	sadd.s32 $0x30, s20;
	s30 =	sadd.s32 s25, s28;
	s28 =	sadd.s32 $0x40, s20  }
0x8e: {  	v46 =	vmov s21;
	v36 =	vor.u32 s29, v0;
	v33 =	vor.u32 s28, v0;
	[tilespmem:v15+s11+$0x0] =	vst.idx.msk vm2, v17  }
0x8f: {  	v37 =	vor.u32 s29, v1;
	v44 =	vmov s22;
	v48 =	vadd.s32 $0xFFFFFFFF, v46;
	[tilespmem:v12+s11+$0x0] =	vst.idx.msk vm7, v33  }
0x90: {  	s31 =	spop (v2sf);
	v20 =	vmov s25;
	v22 =	vmov s30;
	v34 =	vor.u32 s28, v1;
	[tilespmem:v15+s12+$0x0] =	vst.idx.msk vm2, v19  }
0x91: {  	vm14 =	vmand vm14, vm5;
	[tilespmem:v12+s12+$0x0] =	vst.idx.msk vm7, v34;
	vm4 =	vnez.u8 v3;
	v3 =	vor.u32 s24, v0;
	s24 =	sadd.s32 s30, s31  }
0x92: {  	v28 =	vadd.s32 $0xFFFFFFFF, v20;
	v27 =	vadd.s32 $0xFFFFFFFF, v22;
	[tilespmem:v21+s11+$0x0] =	vst.idx.msk vm3, v3;
	v3 =	vmov s24  }
0x93: {  	v32, _, _ =	vpop (xrf0);
	v31 =	vbroadcast v28, $0x0;
	v29 =	vbroadcast v27, $0x0;
	[tilespmem:v14+s11+$0x0] =	vst.idx.msk vm6, v26;
	v3 =	vadd.s32 $0xFFFFFFFF, v3  }
0x94: {  	(v2sf) =	vpush v32, $0xF;
	v42 =	vmov s23;
	[tilespmem:v14+s12+$0x0] =	vst.idx.msk vm6, v30;
	v3 =	vbroadcast v3, $0x0  }
0x95: {  	v45 =	vadd.s32 $0xFFFFFFFF, v42;
	v9 =	vadd.s32 v9, v31;
	v35 =	vadd.s32 v11, v29;
	s31 =	sadd.s32 $0x10, s20;
	[tilespmem:v21+s12+$0x0] =	vst.idx.msk vm3, v16  }
0x96: {  	vm4 =	vmand vm4, vm1;
	v40 =	vor.u32 s31, v0;
	v14 =	vld [tilespmem:$0x1FFF0];
	[tilespmem:v10+s11+$0x0] =	vst.idx.msk vm12, v36;
	v3 =	vadd.s32 v32, v3  }
0x97: {  	vm6 =	vlt.s32 v35, $0x200;
	vm1 =	vmmov vm15;
	[tilespmem:v6+s11+$0x0] =	vst.idx.msk vm14, v40;
	vm15 =	vlt.s32 v3, $0x200  }
0x98: {  	v12 =	vadd.s32 $0xFFFFFFFF, v44;
	vm6 =	vmand vm1, vm6;
	[tilespmem:v18+s11+$0x0] =	vst.idx.msk vm11, v38;
	vm1 =	vmand vm0, vm15  }
0x99: {  	s23 =	sadd.s32 $0x70, s19;
	v15 =	vbroadcast v45, $0x0;
	v12 =	vbroadcast v12, $0x0;
	v43 =	vor.u32 s31, v1;
	[tilespmem:v10+s12+$0x0] =	vst.idx.msk vm12, v37  }
0x9a: {  	v50 =	vor.u32 s23, v0;
	v51 =	vor.u32 s23, v1;
	vm5 =	vlt.s32 v9, $0x200;
	s30 =	sadd.s32 $0x20, s20;
	[tilespmem:v6+s12+$0x0] =	vst.idx.msk vm14, v43  }
0x9b: {  	v7 =	vadd.s32 v7, v15;
	v5 =	vadd.s32 v5, v12;
	v39 =	vor.u32 s30, v0;
	s24 =	sadd.s32 $0x60, s19;
	[tilespmem:v18+s12+$0x0] =	vst.idx.msk vm11, v47  }
0x9c: {  	v41 =	vor.u32 s30, v1;
	v52 =	vor.u32 s24, v0;
	vm0 =	vmand vm13, vm5;
	[tilespmem:v8+s11+$0x0] =	vst.idx.msk vm4, v39  }
0x9d: {  	v53 =	vor.u32 s24, v1;
	vm15 =	vmmov vm10;
	vm10 =	vlt.s32 v7, $0x200;
	[tilespmem:v8+s12+$0x0] =	vst.idx.msk vm4, v41  }
0x9e: {  	vm7 =	vnez.u8 v14;
	v8 =	vbroadcast v48, $0x0;
	vm2 =	vmand vm15, vm10;
	[tilespmem:v3+s11+$0x0] =	vst.idx.msk vm1, v50  }
0x9f: {  	vm11 =	vlt.s32 v5, $0x200;
	vm13 =	vmmov vm7;
	[tilespmem:v3+s12+$0x0] =	vst.idx.msk vm1, v51;
	v3 =	vadd.s32 $0xFFFFFFFF, v49  }
0xa0: {  	s25 =	sadd.s32 $0x50, s19;
	[tilespmem:v35+s11+$0x0] =	vst.idx.msk vm6, v52;
	vm3 =	vmand vm13, vm11;
	v4 =	vadd.s32 v4, v8;
	v3 =	vbroadcast v3, $0x0  }
0xa1: {  	v54 =	vor.u32 s25, v0;
	vm12 =	vmmov vm9;
	[tilespmem:v35+s12+$0x0] =	vst.idx.msk vm6, v53;
	vm13 =	vlt.s32 v4, $0x200  }
0xa2: {  	s26 =	sadd.s32 $0x40, s19;
	v55 =	vor.u32 s25, v1;
	[tilespmem:v9+s11+$0x0] =	vst.idx.msk vm0, v54;
	vm1 =	vmand vm12, vm13;
	v3 =	vadd.s32 v13, v3  }
0xa3: {  	v56 =	vor.u32 s26, v0;
	vm14 =	vmmov vm8;
	[tilespmem:v9+s12+$0x0] =	vst.idx.msk vm0, v55;
	vm15 =	vlt.s32 v3, $0x200  }
0xa4: {  	v57 =	vor.u32 s26, v1;
	s28 =	sadd.s32 $0x30, s19;
	[tilespmem:v7+s11+$0x0] =	vst.idx.msk vm2, v56;
	vm0 =	vmand vm14, vm15  }
0xa5: {  	v58 =	vor.u32 s28, v0;
	[tilespmem:v7+s12+$0x0] =	vst.idx.msk vm2, v57  }
0xa6: {  	s29 =	sadd.s32 $0x20, s19;
	v59 =	vor.u32 s28, v1;
	[tilespmem:v5+s11+$0x0] =	vst.idx.msk vm3, v58  }
0xa7: {  	v60 =	vor.u32 s29, v0;
	[tilespmem:v5+s12+$0x0] =	vst.idx.msk vm3, v59  }
0xa8: {  	v61 =	vor.u32 s29, v1;
	s30 =	sadd.s32 $0x10, s19;
	[tilespmem:v4+s11+$0x0] =	vst.idx.msk vm1, v60  }
0xa9: {  	v62 =	vor.u32 s30, v0;
	[tilespmem:v4+s12+$0x0] =	vst.idx.msk vm1, v61  }
0xaa: {  	v63 =	vor.u32 s30, v1;
	[tilespmem:v3+s11+$0x0] =	vst.idx.msk vm0, v62  }
0xab: {  	s31 =	spop (v2sf);
	[tilespmem:v3+s12+$0x0] =	vst.idx.msk vm0, v63  }
0xac: {  	[tilespmem:s14], [sflag:$0x1] =	stream.indirect.gather [hbm4b:s3+s13], $0x20, s11, s13, $0xb8;
	[tilespmem:$0x8C80] =	vst v63  }
0xad: {  	_ =	swait.ge [sflag:s15], $0x4000  }
0xae: {  	[sflag:s15] =	ssyncset.done $0x0  }
0xaf: {  	[sflag:s15] =	ssyncadd.s32 $0xFFFFC000  }
0xb0: {  	[tilespmem:s16], [sflag:$0x1] =	stream.indirect.gather [hbm4b:s3+s13], $0x20, s12, s13, $0xb8;
	[tilespmem:$0x8C80] =	vst v63  }
0xb1: {  	_ =	swait.ge [sflag:s15], $0x4000  }
0xb2: {  	[sflag:s15] =	ssyncset.done $0x0  }
0xb3: {  	[sflag:s15] =	ssyncadd.s32 $0xFFFFC000  }
0xb4: {  	[hbm4b:s6+s2] =	stream.linear.scatter [tilespmem:s14], [sflag:$0x2], $0x4000, $0x38;
	[tilespmem:$0x8C80] =	vst v63  }
0xb5: {  	s17 =	sadd.s32 $0x1, s17;
	_ =	swait.ge [sflag:s9], $0x4000  }
0xb6: {  	p0 =	sne.s32 s17, s8;
	[sflag:s9] =	ssyncset.done $0x0  }
.Ltmp1:
0xb7: {  	[sflag:s9] =	ssyncadd.s32 $0xFFFFC000;
	(pc) =	sbr.rel @p0 .LBB2_1-.Ltmp1, $4  }
0xb8: {  	[hbm4b:s7+s2] =	stream.linear.scatter [tilespmem:s16], [sflag:$0x2], $0x4000, $0x38;
	[tilespmem:$0x8C80] =	vst v63  }
0xb9: {  	_ =	swait.ge [sflag:s9], $0x4000  }
0xba: {  	[sflag:s9] =	ssyncset.done $0x0  }
0xbb: {  	[sflag:s9] =	ssyncadd.s32 $0xFFFFC000  }
0xbc: {  	_ =	sfence.sel $0x180000  }
0xbd: {  	[bflag:$0x0] =	sbarrier.arrive $0xFFFF  }
0xbe: {  	p0 =	sne.s32 s1, $0x0;
	_ =	strace $0x90000047  }
0xbf: {  	s0 =	sadd.s32 @!p0 $0x100000, s0;
	[bflag:$0x2] =	sbarrier.arrive $0xFFFF  }
0xc0: {  	[sflag:s0] =	ssyncadd.tile.s32 @!p0 $0x1;
	_ =	shalt  }
.Lfunc_end2:
_tile_overlayer_lowered:
.L_overlay_start_2:
0xc1: {  	(tag) =	ssettag $0x2  }
0xc2: {  	s0 =	rddreg [dreg:$0x0];
	s2 =	stileid.u32  }
0xc3: {  	s1 =	rddreg [dreg:$0x1];
	p0 =	sne.s32 s2, $0x0  }
0xc4: {  	s3 =	rddreg [dreg:$0x2];
	[bflag:$0x3] =	sbarrier.arrive $0xFFFF;
	s2 =	simm.s32 @!p0 $0x1C02  }
0xc5: {  	[timem:s3], [sflag:s2] =	dma.local @!p0 [hbm:s0], s1  }
0xc6: {  	s0 =	simm.s32 @!p0 $0x2  }
0xc7: {  	_ =	swait.ge @!p0 [sflag:s0], s1  }
0xc8: {  	s1 =	ssub.s32 @!p0 $0x0, s1;
	[sflag:s0] =	ssyncset.done @!p0 $0x0  }
0xc9: {  	[sflag:s0] =	ssyncadd.s32 @!p0 s1  }
0xca: {  	[bflag:$0x3] =	sbarrier.arrive $0xFFFF  }
0xcb: {  	_ =	shalt  }

</sc_bundles>
